<compile_context>
chip_gen: v7x
topology: tpu7x:2x2x1
jax: 0.10.2.dev20260603
libtpu: 0.0.44.dev20260713+nightly
codegen_flags: <defaults>
</compile_context>

<pallas_src>
import jax
import jax.numpy as jnp
from jax import lax
from jax.experimental import pallas as pl
from jax.experimental.pallas import tpu as pltpu
from jax.experimental.pallas import tpu_sc as plsc

NUM_CORES = 2
NUM_SUBCORES = 16
LANES = 16
NW = NUM_CORES * NUM_SUBCORES

NROWS = 1000000
BATCH = 16384
EMBED_DIM = 16
B_PER_W = BATCH // NW
GROUPS = B_PER_W // LANES
NVALS = B_PER_W * EMBED_DIM

CHUNK = 131072
NCHUNKS = -(-NROWS // CHUNK)

_SC_PARAMS = dict(
    compiler_params=pltpu.CompilerParams(
        needs_layout_passes=False, use_tc_tiling_on_sc=False),
)


def _detile_kernel(src_ref, dst_ref):
    for d in range(EMBED_DIM):
        dst_ref[pl.ds(d * CHUNK, CHUNK)] = src_ref[d, :]


def _linearize(tableT):
    return pl.pallas_call(
        _detile_kernel,
        grid=(NCHUNKS,),
        in_specs=[pl.BlockSpec((EMBED_DIM, CHUNK), lambda c: (0, c))],
        out_specs=pl.BlockSpec((EMBED_DIM * CHUNK,), lambda c: (c,)),
        out_shape=jax.ShapeDtypeStruct(
            (EMBED_DIM * CHUNK * NCHUNKS,), jnp.float32),
    )(tableT)


def _flat_offsets(idx_ref, off_ref):
    def body(g, carry):
        vec = idx_ref[pl.ds(g * LANES, LANES)]
        q = vec // CHUNK
        base = q * (EMBED_DIM * CHUNK) + (vec - q * CHUNK)
        for d in range(EMBED_DIM):
            off_ref[pl.ds(d * B_PER_W + g * LANES, LANES)] = base + d * CHUNK
        return carry

    lax.fori_loop(0, GROUPS, body, 0)


def _gather_kernel(user_hbm, uflat_hbm, uvals_hbm,
                   uidx_v, uoff_v, uval_v, usem):
    wid = lax.axis_index("s") * NUM_CORES + lax.axis_index("c")
    base = wid * B_PER_W

    pltpu.sync_copy(user_hbm.at[pl.ds(base, B_PER_W)], uidx_v)
    _flat_offsets(uidx_v, uoff_v)
    pltpu.async_copy(uflat_hbm.at[uoff_v], uval_v, usem).wait()
    pltpu.sync_copy(uval_v, uvals_hbm.at[pl.ds(wid * NVALS, NVALS)])


def _dot_kernel(item_hbm, iflat_hbm, uvals_hbm, out_hbm,
                iidx_v, ioff_v, uval_v, ival_v, out_v, isem):
    wid = lax.axis_index("s") * NUM_CORES + lax.axis_index("c")
    base = wid * B_PER_W

    pltpu.sync_copy(item_hbm.at[pl.ds(base, B_PER_W)], iidx_v)
    _flat_offsets(iidx_v, ioff_v)
    ci = pltpu.async_copy(iflat_hbm.at[ioff_v], ival_v, isem)
    pltpu.sync_copy(uvals_hbm.at[pl.ds(wid * NVALS, NVALS)], uval_v)
    ci.wait()

    def compute(g, carry):
        sl = pl.ds(g * LANES, LANES)
        acc = jnp.zeros((LANES,), jnp.float32)
        for d in range(EMBED_DIM):
            dsl = pl.ds(d * B_PER_W + g * LANES, LANES)
            acc = acc + uval_v[dsl] * ival_v[dsl]
        out_v[sl] = acc
        return carry

    lax.fori_loop(0, GROUPS, compute, 0)

    pltpu.sync_copy(out_v, out_hbm.at[pl.ds(base, B_PER_W)])


@jax.jit
def kernel(user, item, user_emb, item_emb):
    mesh = plsc.VectorSubcoreMesh(
        core_axis_name="c", subcore_axis_name="s",
        num_cores=NUM_CORES, num_subcores=NUM_SUBCORES)

    uflat = _linearize(user_emb.T)
    gather_u = pl.kernel(
        _gather_kernel,
        out_type=jax.ShapeDtypeStruct((BATCH * EMBED_DIM,), jnp.float32),
        mesh=mesh,
        scratch_types=[
            pltpu.VMEM((B_PER_W,), jnp.int32),
            pltpu.VMEM((NVALS,), jnp.int32),
            pltpu.VMEM((NVALS,), jnp.float32),
            pltpu.SemaphoreType.DMA,
        ],
        **_SC_PARAMS,
    )
    uvals = gather_u(user, uflat)

    iflat = _linearize(item_emb.T)
    dot = pl.kernel(
        _dot_kernel,
        out_type=jax.ShapeDtypeStruct((BATCH,), jnp.float32),
        mesh=mesh,
        scratch_types=[
            pltpu.VMEM((B_PER_W,), jnp.int32),
            pltpu.VMEM((NVALS,), jnp.int32),
            pltpu.VMEM((NVALS,), jnp.float32),
            pltpu.VMEM((NVALS,), jnp.float32),
            pltpu.VMEM((B_PER_W,), jnp.float32),
            pltpu.SemaphoreType.DMA,
        ],
        **_SC_PARAMS,
    )
    return dot(item, iflat, uvals)

# --- scband reference (transcript-rebuilt; emitter-appended) ---
"""Pipeline reference for scband-bpr-mfbase-29171417874782 (READ-ONLY COPY).

The authoritative reference and input builder live on the scoring server;
editing this copy changes nothing except your own understanding.
"""

import jax, jax.numpy as jnp
import numpy as np

NUM_USERS = 1000000
NUM_ITEMS = 1000000
EMBED_DIM = 16
BATCH = 16384

def setup_inputs(seed: int = 0) -> dict:
    key = jax.random.key(seed)
    k_user, k_item, k_ue, k_ie = jax.random.split(key, 4)
    user = jax.random.randint(k_user, (BATCH,), 0, NUM_USERS, dtype=jnp.int64 if jax.config.jax_enable_x64 else jnp.int32).astype(jnp.int32)
    item = jax.random.randint(k_item, (BATCH,), 0, NUM_ITEMS, dtype=jnp.int32)
    user_emb = jax.random.normal(k_ue, (NUM_USERS, EMBED_DIM), dtype=jnp.float32) * 0.01
    item_emb = jax.random.normal(k_ie, (NUM_ITEMS, EMBED_DIM), dtype=jnp.float32) * 0.01
    return {"user": user, "item": item, "user_emb": user_emb, "item_emb": item_emb}

def reference(user, item, user_emb, item_emb):
    # Faithful translation of bprMFBase.forward:
    #   user_emb = self.user_emb(user); item_emb = self.item_emb(item)
    #   dot = (user_emb * item_emb).sum(dim=1)
    u = jnp.take(user_emb, user, axis=0)   # embedding gather [B, D]
    v = jnp.take(item_emb, item, axis=0)   # embedding gather [B, D]
    dot = (u * v).sum(axis=1)              # [B]
    return dot

if __name__ == "__main__":
    import jax
    _d = setup_inputs()
    print(jax.jit(kernel)(*tuple(_d.values())))

</pallas_src>

<mosaic_0001>
#map = affine_map<(d0, d1) -> (0)>
module attributes {stable_mosaic.version = 14 : i64} {
  func.func @_gather_kernel(%arg0: i32, %arg1: i32, %arg2: memref<16384xi32, #tpu.memory_space<hbm>>, %arg3: memref<16777216xf32, #tpu.memory_space<hbm>>, %arg4: memref<262144xf32, #tpu.memory_space<hbm>>, %arg5: memref<512xi32, #tpu.memory_space<vmem>>, %arg6: memref<8192xi32, #tpu.memory_space<vmem>>, %arg7: memref<8192xf32, #tpu.memory_space<vmem>>, %arg8: memref<!tpu.dma_semaphore, #tpu.memory_space<semaphore_mem>>) attributes {dimension_semantics = [#tpu.dimension_semantics<core_parallel>, #tpu.dimension_semantics<subcore_parallel>], iteration_bounds = array<i64: 2, 16>, scalar_prefetch = 0 : i64, scratch_operands = 4 : i64, tpu.core_type = #tpu.core_type<sc_vector_subcore>, window_params = [{transform_indices = #map}, {transform_indices = #map}, {transform_indices = #map}]} {
    %mul3A = arith.constant 2 : i32
    %mul3A_0 = arith.muli %arg1, %mul3A : i32
    %add3A = arith.addi %mul3A_0, %arg0 : i32
    %mul3A_1 = arith.constant 512 : i32
    %mul3A_2 = arith.muli %add3A, %mul3A_1 : i32
    "tpu.region"() ({
      %run_scoped3A = tpu.sem_alloc : memref<!tpu.dma_semaphore, #tpu.memory_space<semaphore_mem>>
      %dma_start3A_12 = tpu.memref_slice %arg2[%mul3A_2] : memref<16384xi32, #tpu.memory_space<hbm>> -> memref<512xi32, #tpu.memory_space<hbm>>
      %dma_start3A_13 = tpu.memref_slice %arg2[%mul3A_2] : memref<16384xi32, #tpu.memory_space<hbm>> -> memref<512xi32, #tpu.memory_space<hbm>>
      tpu.enqueue_dma source(%dma_start3A_13 : memref<512xi32, #tpu.memory_space<hbm>>) target(%arg5 : memref<512xi32, #tpu.memory_space<vmem>>) target_semaphore(%run_scoped3A : memref<!tpu.dma_semaphore, #tpu.memory_space<semaphore_mem>>)
      %dma_wait3A_14 = tpu.memref_slice %arg2[%mul3A_2] : memref<16384xi32, #tpu.memory_space<hbm>> -> memref<512xi32, #tpu.memory_space<hbm>>
      %dma_wait3A_15 = tpu.memref_slice %arg2[%mul3A_2] : memref<16384xi32, #tpu.memory_space<hbm>> -> memref<512xi32, #tpu.memory_space<hbm>>
      tpu.wait_dma2 semaphore(%run_scoped3A : memref<!tpu.dma_semaphore, #tpu.memory_space<semaphore_mem>>) src(%dma_wait3A_15 : memref<512xi32, #tpu.memory_space<hbm>>) dst(%arg5 : memref<512xi32, #tpu.memory_space<vmem>>)
      tpu.yield
    }) : () -> ()
    %scan3A = arith.constant 0 : i32
    %scan3A_3 = arith.constant 0 : i32
    %scan3A_4 = arith.constant 32 : i32
    %scan3A_5 = arith.addi %scan3A_3, %scan3A_4 : i32
    %scan3A_6 = arith.constant 1 : i32
    scf.for %scan3A_12 = %scan3A_3 to %scan3A_5 step %scan3A_6  : i32 {
      %mul3A_13 = arith.constant 16 : i32
      %mul3A_14 = arith.muli %scan3A_12, %mul3A_13 : i32
      %get3A = arith.index_cast %mul3A_14 : i32 to index
      %get3A_15 = tpu.vector_load %arg5[%get3A] {strides = array<i32>} : memref<512xi32, #tpu.memory_space<vmem>>, vector<16xi32>,
      %jit3A = arith.constant 131072 : i32
      %div3A = vector.broadcast %jit3A : i32 to vector<16xi32>
      %div3A_16 = arith.divsi %get3A_15, %div3A : vector<16xi32>
      %sign3A = arith.constant 0 : i32
      %sign3A_17 = vector.broadcast %sign3A : i32 to vector<16xi32>
      %sign3A_18 = arith.cmpi sgt, %get3A_15, %sign3A_17 : vector<16xi32>
      %sign3A_19 = arith.extui %sign3A_18 : vector<16xi1> to vector<16xi32>
      %sign3A_20 = arith.constant 0 : i32
      %sign3A_21 = vector.broadcast %sign3A_20 : i32 to vector<16xi32>
      %sign3A_22 = arith.cmpi slt, %get3A_15, %sign3A_21 : vector<16xi32>
      %sign3A_23 = arith.extui %sign3A_22 : vector<16xi1> to vector<16xi32>
      %sign3A_24 = arith.subi %sign3A_19, %sign3A_23 : vector<16xi32>
      %sign3A_25 = arith.constant 0 : i32
      %sign3A_26 = arith.cmpi sgt, %jit3A, %sign3A_25 : i32
      %sign3A_27 = arith.extui %sign3A_26 : i1 to i32
      %sign3A_28 = arith.constant 0 : i32
      %sign3A_29 = arith.cmpi slt, %jit3A, %sign3A_28 : i32
      %sign3A_30 = arith.extui %sign3A_29 : i1 to i32
      %sign3A_31 = arith.subi %sign3A_27, %sign3A_30 : i32
      %ne3A = vector.broadcast %sign3A_31 : i32 to vector<16xi32>
      %ne3A_32 = arith.cmpi ne, %sign3A_24, %ne3A : vector<16xi32>
      %rem3A = vector.broadcast %jit3A : i32 to vector<16xi32>
      %rem3A_33 = arith.remsi %get3A_15, %rem3A : vector<16xi32>
      %ne3A_34 = arith.constant 0 : i32
      %ne3A_35 = vector.broadcast %ne3A_34 : i32 to vector<16xi32>
      %ne3A_36 = arith.cmpi ne, %rem3A_33, %ne3A_35 : vector<16xi32>
      %and3A = arith.andi %ne3A_32, %ne3A_36 : vector<16xi1>
      %sub3A = arith.constant 1 : i32
      %sub3A_37 = vector.broadcast %sub3A : i32 to vector<16xi32>
      %sub3A_38 = arith.subi %div3A_16, %sub3A_37 : vector<16xi32>
      %select_n3A = arith.select %and3A, %sub3A_38, %div3A_16 : vector<16xi1>, vector<16xi32>
      %mul3A_39 = arith.constant 2097152 : i32
      %mul3A_40 = vector.broadcast %mul3A_39 : i32 to vector<16xi32>
      %mul3A_41 = arith.muli %select_n3A, %mul3A_40 : vector<16xi32>
      %mul3A_42 = arith.constant 131072 : i32
      %mul3A_43 = vector.broadcast %mul3A_42 : i32 to vector<16xi32>
      %mul3A_44 = arith.muli %select_n3A, %mul3A_43 : vector<16xi32>
      %sub3A_45 = arith.subi %get3A_15, %mul3A_44 : vector<16xi32>
      %add3A_46 = arith.addi %mul3A_41, %sub3A_45 : vector<16xi32>
      %add3A_47 = arith.constant 0 : i32
      %add3A_48 = vector.broadcast %add3A_47 : i32 to vector<16xi32>
      %add3A_49 = arith.addi %add3A_46, %add3A_48 : vector<16xi32>
      %mul3A_50 = arith.constant 16 : i32
      %mul3A_51 = arith.muli %scan3A_12, %mul3A_50 : i32
      %add3A_52 = arith.constant 0 : i32
      %add3A_53 = arith.addi %add3A_52, %mul3A_51 : i32
      %swap3A = arith.index_cast %add3A_53 : i32 to index
      %swap3A_54 = tpu.vector_load %arg6[%swap3A] {strides = array<i32>} : memref<8192xi32, #tpu.memory_space<vmem>>, vector<16xi32>,
      tpu.vector_store %arg6[%swap3A], %add3A_49 {strides = array<i32>} : memref<8192xi32, #tpu.memory_space<vmem>>, vector<16xi32>,
      %add3A_55 = arith.constant 131072 : i32
      %add3A_56 = vector.broadcast %add3A_55 : i32 to vector<16xi32>
      %add3A_57 = arith.addi %add3A_46, %add3A_56 : vector<16xi32>
      %mul3A_58 = arith.constant 16 : i32
      %mul3A_59 = arith.muli %scan3A_12, %mul3A_58 : i32
      %add3A_60 = arith.constant 512 : i32
      %add3A_61 = arith.addi %add3A_60, %mul3A_59 : i32
      %swap3A_62 = arith.index_cast %add3A_61 : i32 to index
      %swap3A_63 = tpu.vector_load %arg6[%swap3A_62] {strides = array<i32>} : memref<8192xi32, #tpu.memory_space<vmem>>, vector<16xi32>,
      tpu.vector_store %arg6[%swap3A_62], %add3A_57 {strides = array<i32>} : memref<8192xi32, #tpu.memory_space<vmem>>, vector<16xi32>,
      %add3A_64 = arith.constant 262144 : i32
      %add3A_65 = vector.broadcast %add3A_64 : i32 to vector<16xi32>
      %add3A_66 = arith.addi %add3A_46, %add3A_65 : vector<16xi32>
      %mul3A_67 = arith.constant 16 : i32
      %mul3A_68 = arith.muli %scan3A_12, %mul3A_67 : i32
      %add3A_69 = arith.constant 1024 : i32
      %add3A_70 = arith.addi %add3A_69, %mul3A_68 : i32
      %swap3A_71 = arith.index_cast %add3A_70 : i32 to index
      %swap3A_72 = tpu.vector_load %arg6[%swap3A_71] {strides = array<i32>} : memref<8192xi32, #tpu.memory_space<vmem>>, vector<16xi32>,
      tpu.vector_store %arg6[%swap3A_71], %add3A_66 {strides = array<i32>} : memref<8192xi32, #tpu.memory_space<vmem>>, vector<16xi32>,
      %add3A_73 = arith.constant 393216 : i32
      %add3A_74 = vector.broadcast %add3A_73 : i32 to vector<16xi32>
      %add3A_75 = arith.addi %add3A_46, %add3A_74 : vector<16xi32>
      %mul3A_76 = arith.constant 16 : i32
      %mul3A_77 = arith.muli %scan3A_12, %mul3A_76 : i32
      %add3A_78 = arith.constant 1536 : i32
      %add3A_79 = arith.addi %add3A_78, %mul3A_77 : i32
      %swap3A_80 = arith.index_cast %add3A_79 : i32 to index
      %swap3A_81 = tpu.vector_load %arg6[%swap3A_80] {strides = array<i32>} : memref<8192xi32, #tpu.memory_space<vmem>>, vector<16xi32>,
      tpu.vector_store %arg6[%swap3A_80], %add3A_75 {strides = array<i32>} : memref<8192xi32, #tpu.memory_space<vmem>>, vector<16xi32>,
      %add3A_82 = arith.constant 524288 : i32
      %add3A_83 = vector.broadcast %add3A_82 : i32 to vector<16xi32>
      %add3A_84 = arith.addi %add3A_46, %add3A_83 : vector<16xi32>
      %mul3A_85 = arith.constant 16 : i32
      %mul3A_86 = arith.muli %scan3A_12, %mul3A_85 : i32
      %add3A_87 = arith.constant 2048 : i32
      %add3A_88 = arith.addi %add3A_87, %mul3A_86 : i32
      %swap3A_89 = arith.index_cast %add3A_88 : i32 to index
      %swap3A_90 = tpu.vector_load %arg6[%swap3A_89] {strides = array<i32>} : memref<8192xi32, #tpu.memory_space<vmem>>, vector<16xi32>,
      tpu.vector_store %arg6[%swap3A_89], %add3A_84 {strides = array<i32>} : memref<8192xi32, #tpu.memory_space<vmem>>, vector<16xi32>,
      %add3A_91 = arith.constant 655360 : i32
      %add3A_92 = vector.broadcast %add3A_91 : i32 to vector<16xi32>
      %add3A_93 = arith.addi %add3A_46, %add3A_92 : vector<16xi32>
      %mul3A_94 = arith.constant 16 : i32
      %mul3A_95 = arith.muli %scan3A_12, %mul3A_94 : i32
      %add3A_96 = arith.constant 2560 : i32
      %add3A_97 = arith.addi %add3A_96, %mul3A_95 : i32
      %swap3A_98 = arith.index_cast %add3A_97 : i32 to index
      %swap3A_99 = tpu.vector_load %arg6[%swap3A_98] {strides = array<i32>} : memref<8192xi32, #tpu.memory_space<vmem>>, vector<16xi32>,
      tpu.vector_store %arg6[%swap3A_98], %add3A_93 {strides = array<i32>} : memref<8192xi32, #tpu.memory_space<vmem>>, vector<16xi32>,
      %add3A_100 = arith.constant 786432 : i32
      %add3A_101 = vector.broadcast %add3A_100 : i32 to vector<16xi32>
      %add3A_102 = arith.addi %add3A_46, %add3A_101 : vector<16xi32>
      %mul3A_103 = arith.constant 16 : i32
      %mul3A_104 = arith.muli %scan3A_12, %mul3A_103 : i32
      %add3A_105 = arith.constant 3072 : i32
      %add3A_106 = arith.addi %add3A_105, %mul3A_104 : i32
      %swap3A_107 = arith.index_cast %add3A_106 : i32 to index
      %swap3A_108 = tpu.vector_load %arg6[%swap3A_107] {strides = array<i32>} : memref<8192xi32, #tpu.memory_space<vmem>>, vector<16xi32>,
      tpu.vector_store %arg6[%swap3A_107], %add3A_102 {strides = array<i32>} : memref<8192xi32, #tpu.memory_space<vmem>>, vector<16xi32>,
      %add3A_109 = arith.constant 917504 : i32
      %add3A_110 = vector.broadcast %add3A_109 : i32 to vector<16xi32>
      %add3A_111 = arith.addi %add3A_46, %add3A_110 : vector<16xi32>
      %mul3A_112 = arith.constant 16 : i32
      %mul3A_113 = arith.muli %scan3A_12, %mul3A_112 : i32
      %add3A_114 = arith.constant 3584 : i32
      %add3A_115 = arith.addi %add3A_114, %mul3A_113 : i32
      %swap3A_116 = arith.index_cast %add3A_115 : i32 to index
      %swap3A_117 = tpu.vector_load %arg6[%swap3A_116] {strides = array<i32>} : memref<8192xi32, #tpu.memory_space<vmem>>, vector<16xi32>,
      tpu.vector_store %arg6[%swap3A_116], %add3A_111 {strides = array<i32>} : memref<8192xi32, #tpu.memory_space<vmem>>, vector<16xi32>,
      %add3A_118 = arith.constant 1048576 : i32
      %add3A_119 = vector.broadcast %add3A_118 : i32 to vector<16xi32>
      %add3A_120 = arith.addi %add3A_46, %add3A_119 : vector<16xi32>
      %mul3A_121 = arith.constant 16 : i32
      %mul3A_122 = arith.muli %scan3A_12, %mul3A_121 : i32
      %add3A_123 = arith.constant 4096 : i32
      %add3A_124 = arith.addi %add3A_123, %mul3A_122 : i32
      %swap3A_125 = arith.index_cast %add3A_124 : i32 to index
      %swap3A_126 = tpu.vector_load %arg6[%swap3A_125] {strides = array<i32>} : memref<8192xi32, #tpu.memory_space<vmem>>, vector<16xi32>,
      tpu.vector_store %arg6[%swap3A_125], %add3A_120 {strides = array<i32>} : memref<8192xi32, #tpu.memory_space<vmem>>, vector<16xi32>,
      %add3A_127 = arith.constant 1179648 : i32
      %add3A_128 = vector.broadcast %add3A_127 : i32 to vector<16xi32>
      %add3A_129 = arith.addi %add3A_46, %add3A_128 : vector<16xi32>
      %mul3A_130 = arith.constant 16 : i32
      %mul3A_131 = arith.muli %scan3A_12, %mul3A_130 : i32
      %add3A_132 = arith.constant 4608 : i32
      %add3A_133 = arith.addi %add3A_132, %mul3A_131 : i32
      %swap3A_134 = arith.index_cast %add3A_133 : i32 to index
      %swap3A_135 = tpu.vector_load %arg6[%swap3A_134] {strides = array<i32>} : memref<8192xi32, #tpu.memory_space<vmem>>, vector<16xi32>,
      tpu.vector_store %arg6[%swap3A_134], %add3A_129 {strides = array<i32>} : memref<8192xi32, #tpu.memory_space<vmem>>, vector<16xi32>,
      %add3A_136 = arith.constant 1310720 : i32
      %add3A_137 = vector.broadcast %add3A_136 : i32 to vector<16xi32>
      %add3A_138 = arith.addi %add3A_46, %add3A_137 : vector<16xi32>
      %mul3A_139 = arith.constant 16 : i32
      %mul3A_140 = arith.muli %scan3A_12, %mul3A_139 : i32
      %add3A_141 = arith.constant 5120 : i32
      %add3A_142 = arith.addi %add3A_141, %mul3A_140 : i32
      %swap3A_143 = arith.index_cast %add3A_142 : i32 to index
      %swap3A_144 = tpu.vector_load %arg6[%swap3A_143] {strides = array<i32>} : memref<8192xi32, #tpu.memory_space<vmem>>, vector<16xi32>,
      tpu.vector_store %arg6[%swap3A_143], %add3A_138 {strides = array<i32>} : memref<8192xi32, #tpu.memory_space<vmem>>, vector<16xi32>,
      %add3A_145 = arith.constant 1441792 : i32
      %add3A_146 = vector.broadcast %add3A_145 : i32 to vector<16xi32>
      %add3A_147 = arith.addi %add3A_46, %add3A_146 : vector<16xi32>
      %mul3A_148 = arith.constant 16 : i32
      %mul3A_149 = arith.muli %scan3A_12, %mul3A_148 : i32
      %add3A_150 = arith.constant 5632 : i32
      %add3A_151 = arith.addi %add3A_150, %mul3A_149 : i32
      %swap3A_152 = arith.index_cast %add3A_151 : i32 to index
      %swap3A_153 = tpu.vector_load %arg6[%swap3A_152] {strides = array<i32>} : memref<8192xi32, #tpu.memory_space<vmem>>, vector<16xi32>,
      tpu.vector_store %arg6[%swap3A_152], %add3A_147 {strides = array<i32>} : memref<8192xi32, #tpu.memory_space<vmem>>, vector<16xi32>,
      %add3A_154 = arith.constant 1572864 : i32
      %add3A_155 = vector.broadcast %add3A_154 : i32 to vector<16xi32>
      %add3A_156 = arith.addi %add3A_46, %add3A_155 : vector<16xi32>
      %mul3A_157 = arith.constant 16 : i32
      %mul3A_158 = arith.muli %scan3A_12, %mul3A_157 : i32
      %add3A_159 = arith.constant 6144 : i32
      %add3A_160 = arith.addi %add3A_159, %mul3A_158 : i32
      %swap3A_161 = arith.index_cast %add3A_160 : i32 to index
      %swap3A_162 = tpu.vector_load %arg6[%swap3A_161] {strides = array<i32>} : memref<8192xi32, #tpu.memory_space<vmem>>, vector<16xi32>,
      tpu.vector_store %arg6[%swap3A_161], %add3A_156 {strides = array<i32>} : memref<8192xi32, #tpu.memory_space<vmem>>, vector<16xi32>,
      %add3A_163 = arith.constant 1703936 : i32
      %add3A_164 = vector.broadcast %add3A_163 : i32 to vector<16xi32>
      %add3A_165 = arith.addi %add3A_46, %add3A_164 : vector<16xi32>
      %mul3A_166 = arith.constant 16 : i32
      %mul3A_167 = arith.muli %scan3A_12, %mul3A_166 : i32
      %add3A_168 = arith.constant 6656 : i32
      %add3A_169 = arith.addi %add3A_168, %mul3A_167 : i32
      %swap3A_170 = arith.index_cast %add3A_169 : i32 to index
      %swap3A_171 = tpu.vector_load %arg6[%swap3A_170] {strides = array<i32>} : memref<8192xi32, #tpu.memory_space<vmem>>, vector<16xi32>,
      tpu.vector_store %arg6[%swap3A_170], %add3A_165 {strides = array<i32>} : memref<8192xi32, #tpu.memory_space<vmem>>, vector<16xi32>,
      %add3A_172 = arith.constant 1835008 : i32
      %add3A_173 = vector.broadcast %add3A_172 : i32 to vector<16xi32>
      %add3A_174 = arith.addi %add3A_46, %add3A_173 : vector<16xi32>
      %mul3A_175 = arith.constant 16 : i32
      %mul3A_176 = arith.muli %scan3A_12, %mul3A_175 : i32
      %add3A_177 = arith.constant 7168 : i32
      %add3A_178 = arith.addi %add3A_177, %mul3A_176 : i32
      %swap3A_179 = arith.index_cast %add3A_178 : i32 to index
      %swap3A_180 = tpu.vector_load %arg6[%swap3A_179] {strides = array<i32>} : memref<8192xi32, #tpu.memory_space<vmem>>, vector<16xi32>,
      tpu.vector_store %arg6[%swap3A_179], %add3A_174 {strides = array<i32>} : memref<8192xi32, #tpu.memory_space<vmem>>, vector<16xi32>,
      %add3A_181 = arith.constant 1966080 : i32
      %add3A_182 = vector.broadcast %add3A_181 : i32 to vector<16xi32>
      %add3A_183 = arith.addi %add3A_46, %add3A_182 : vector<16xi32>
      %mul3A_184 = arith.constant 16 : i32
      %mul3A_185 = arith.muli %scan3A_12, %mul3A_184 : i32
      %add3A_186 = arith.constant 7680 : i32
      %add3A_187 = arith.addi %add3A_186, %mul3A_185 : i32
      %swap3A_188 = arith.index_cast %add3A_187 : i32 to index
      %swap3A_189 = tpu.vector_load %arg6[%swap3A_188] {strides = array<i32>} : memref<8192xi32, #tpu.memory_space<vmem>>, vector<16xi32>,
      tpu.vector_store %arg6[%swap3A_188], %add3A_183 {strides = array<i32>} : memref<8192xi32, #tpu.memory_space<vmem>>, vector<16xi32>,
    }
    %scan3A_7 = arith.constant 32 : i32
    %dma_start3A = arith.constant 0 : i32
    %dma_start3A_8 = tpu.memref_slice %arg3[%dma_start3A] : memref<16777216xf32, #tpu.memory_space<hbm>> -> memref<16777216xf32, #tpu.memory_space<hbm>>
    tpu.enqueue_indirect_dma source(%dma_start3A_8 : memref<16777216xf32, #tpu.memory_space<hbm>>) target(%arg7 : memref<8192xf32, #tpu.memory_space<vmem>>) offsets(%arg6 : memref<8192xi32, #tpu.memory_space<vmem>>) semaphore(%arg8 : memref<!tpu.dma_semaphore, #tpu.memory_space<semaphore_mem>>)
    %dma_wait3A = arith.constant 0 : i32
    %dma_wait3A_9 = tpu.memref_slice %arg3[%dma_wait3A] : memref<16777216xf32, #tpu.memory_space<hbm>> -> memref<16777216xf32, #tpu.memory_space<hbm>>
    tpu.wait_indirect_dma semaphore(%arg8 : memref<!tpu.dma_semaphore, #tpu.memory_space<semaphore_mem>>) src(%dma_wait3A_9 : memref<16777216xf32, #tpu.memory_space<hbm>>) dst(%arg7 : memref<8192xf32, #tpu.memory_space<vmem>>)
    %mul3A_10 = arith.constant 8192 : i32
    %mul3A_11 = arith.muli %add3A, %mul3A_10 : i32
    "tpu.region"() ({
      %run_scoped3A = tpu.sem_alloc : memref<!tpu.dma_semaphore, #tpu.memory_space<semaphore_mem>>
      %dma_start3A_12 = tpu.memref_slice %arg4[%mul3A_11] : memref<262144xf32, #tpu.memory_space<hbm>> -> memref<8192xf32, #tpu.memory_space<hbm>>
      %dma_start3A_13 = tpu.memref_slice %arg4[%mul3A_11] : memref<262144xf32, #tpu.memory_space<hbm>> -> memref<8192xf32, #tpu.memory_space<hbm>>
      tpu.enqueue_dma source(%arg7 : memref<8192xf32, #tpu.memory_space<vmem>>) target(%dma_start3A_13 : memref<8192xf32, #tpu.memory_space<hbm>>) target_semaphore(%run_scoped3A : memref<!tpu.dma_semaphore, #tpu.memory_space<semaphore_mem>>)
      %dma_wait3A_14 = tpu.memref_slice %arg4[%mul3A_11] : memref<262144xf32, #tpu.memory_space<hbm>> -> memref<8192xf32, #tpu.memory_space<hbm>>
      %dma_wait3A_15 = tpu.memref_slice %arg4[%mul3A_11] : memref<262144xf32, #tpu.memory_space<hbm>> -> memref<8192xf32, #tpu.memory_space<hbm>>
      tpu.wait_dma2 semaphore(%run_scoped3A : memref<!tpu.dma_semaphore, #tpu.memory_space<semaphore_mem>>) src(%arg7 : memref<8192xf32, #tpu.memory_space<vmem>>) dst(%dma_wait3A_15 : memref<8192xf32, #tpu.memory_space<hbm>>)
      tpu.yield
    }) : () -> ()
    return
  }
}

#map = affine_map<(d0, d1) -> (0)>
module attributes {stable_mosaic.version = 14 : i64} {
  func.func @_dot_kernel(%arg0: i32, %arg1: i32, %arg2: memref<16384xi32, #tpu.memory_space<hbm>>, %arg3: memref<16777216xf32, #tpu.memory_space<hbm>>, %arg4: memref<262144xf32, #tpu.memory_space<hbm>>, %arg5: memref<16384xf32, #tpu.memory_space<hbm>>, %arg6: memref<512xi32, #tpu.memory_space<vmem>>, %arg7: memref<8192xi32, #tpu.memory_space<vmem>>, %arg8: memref<8192xf32, #tpu.memory_space<vmem>>, %arg9: memref<8192xf32, #tpu.memory_space<vmem>>, %arg10: memref<512xf32, #tpu.memory_space<vmem>>, %arg11: memref<!tpu.dma_semaphore, #tpu.memory_space<semaphore_mem>>) attributes {dimension_semantics = [#tpu.dimension_semantics<core_parallel>, #tpu.dimension_semantics<subcore_parallel>], iteration_bounds = array<i64: 2, 16>, scalar_prefetch = 0 : i64, scratch_operands = 6 : i64, tpu.core_type = #tpu.core_type<sc_vector_subcore>, window_params = [{transform_indices = #map}, {transform_indices = #map}, {transform_indices = #map}, {transform_indices = #map}]} {
    %mul3A = arith.constant 2 : i32
    %mul3A_0 = arith.muli %arg1, %mul3A : i32
    %add3A = arith.addi %mul3A_0, %arg0 : i32
    %mul3A_1 = arith.constant 512 : i32
    %mul3A_2 = arith.muli %add3A, %mul3A_1 : i32
    "tpu.region"() ({
      %run_scoped3A = tpu.sem_alloc : memref<!tpu.dma_semaphore, #tpu.memory_space<semaphore_mem>>
      %dma_start3A_18 = tpu.memref_slice %arg2[%mul3A_2] : memref<16384xi32, #tpu.memory_space<hbm>> -> memref<512xi32, #tpu.memory_space<hbm>>
      %dma_start3A_19 = tpu.memref_slice %arg2[%mul3A_2] : memref<16384xi32, #tpu.memory_space<hbm>> -> memref<512xi32, #tpu.memory_space<hbm>>
      tpu.enqueue_dma source(%dma_start3A_19 : memref<512xi32, #tpu.memory_space<hbm>>) target(%arg6 : memref<512xi32, #tpu.memory_space<vmem>>) target_semaphore(%run_scoped3A : memref<!tpu.dma_semaphore, #tpu.memory_space<semaphore_mem>>)
      %dma_wait3A_20 = tpu.memref_slice %arg2[%mul3A_2] : memref<16384xi32, #tpu.memory_space<hbm>> -> memref<512xi32, #tpu.memory_space<hbm>>
      %dma_wait3A_21 = tpu.memref_slice %arg2[%mul3A_2] : memref<16384xi32, #tpu.memory_space<hbm>> -> memref<512xi32, #tpu.memory_space<hbm>>
      tpu.wait_dma2 semaphore(%run_scoped3A : memref<!tpu.dma_semaphore, #tpu.memory_space<semaphore_mem>>) src(%dma_wait3A_21 : memref<512xi32, #tpu.memory_space<hbm>>) dst(%arg6 : memref<512xi32, #tpu.memory_space<vmem>>)
      tpu.yield
    }) : () -> ()
    %scan3A = arith.constant 0 : i32
    %scan3A_3 = arith.constant 0 : i32
    %scan3A_4 = arith.constant 32 : i32
    %scan3A_5 = arith.addi %scan3A_3, %scan3A_4 : i32
    %scan3A_6 = arith.constant 1 : i32
    scf.for %scan3A_18 = %scan3A_3 to %scan3A_5 step %scan3A_6  : i32 {
      %mul3A_19 = arith.constant 16 : i32
      %mul3A_20 = arith.muli %scan3A_18, %mul3A_19 : i32
      %get3A = arith.index_cast %mul3A_20 : i32 to index
      %get3A_21 = tpu.vector_load %arg6[%get3A] {strides = array<i32>} : memref<512xi32, #tpu.memory_space<vmem>>, vector<16xi32>,
      %jit3A = arith.constant 131072 : i32
      %div3A = vector.broadcast %jit3A : i32 to vector<16xi32>
      %div3A_22 = arith.divsi %get3A_21, %div3A : vector<16xi32>
      %sign3A = arith.constant 0 : i32
      %sign3A_23 = vector.broadcast %sign3A : i32 to vector<16xi32>
      %sign3A_24 = arith.cmpi sgt, %get3A_21, %sign3A_23 : vector<16xi32>
      %sign3A_25 = arith.extui %sign3A_24 : vector<16xi1> to vector<16xi32>
      %sign3A_26 = arith.constant 0 : i32
      %sign3A_27 = vector.broadcast %sign3A_26 : i32 to vector<16xi32>
      %sign3A_28 = arith.cmpi slt, %get3A_21, %sign3A_27 : vector<16xi32>
      %sign3A_29 = arith.extui %sign3A_28 : vector<16xi1> to vector<16xi32>
      %sign3A_30 = arith.subi %sign3A_25, %sign3A_29 : vector<16xi32>
      %sign3A_31 = arith.constant 0 : i32
      %sign3A_32 = arith.cmpi sgt, %jit3A, %sign3A_31 : i32
      %sign3A_33 = arith.extui %sign3A_32 : i1 to i32
      %sign3A_34 = arith.constant 0 : i32
      %sign3A_35 = arith.cmpi slt, %jit3A, %sign3A_34 : i32
      %sign3A_36 = arith.extui %sign3A_35 : i1 to i32
      %sign3A_37 = arith.subi %sign3A_33, %sign3A_36 : i32
      %ne3A = vector.broadcast %sign3A_37 : i32 to vector<16xi32>
      %ne3A_38 = arith.cmpi ne, %sign3A_30, %ne3A : vector<16xi32>
      %rem3A = vector.broadcast %jit3A : i32 to vector<16xi32>
      %rem3A_39 = arith.remsi %get3A_21, %rem3A : vector<16xi32>
      %ne3A_40 = arith.constant 0 : i32
      %ne3A_41 = vector.broadcast %ne3A_40 : i32 to vector<16xi32>
      %ne3A_42 = arith.cmpi ne, %rem3A_39, %ne3A_41 : vector<16xi32>
      %and3A = arith.andi %ne3A_38, %ne3A_42 : vector<16xi1>
      %sub3A = arith.constant 1 : i32
      %sub3A_43 = vector.broadcast %sub3A : i32 to vector<16xi32>
      %sub3A_44 = arith.subi %div3A_22, %sub3A_43 : vector<16xi32>
      %select_n3A = arith.select %and3A, %sub3A_44, %div3A_22 : vector<16xi1>, vector<16xi32>
      %mul3A_45 = arith.constant 2097152 : i32
      %mul3A_46 = vector.broadcast %mul3A_45 : i32 to vector<16xi32>
      %mul3A_47 = arith.muli %select_n3A, %mul3A_46 : vector<16xi32>
      %mul3A_48 = arith.constant 131072 : i32
      %mul3A_49 = vector.broadcast %mul3A_48 : i32 to vector<16xi32>
      %mul3A_50 = arith.muli %select_n3A, %mul3A_49 : vector<16xi32>
      %sub3A_51 = arith.subi %get3A_21, %mul3A_50 : vector<16xi32>
      %add3A_52 = arith.addi %mul3A_47, %sub3A_51 : vector<16xi32>
      %add3A_53 = arith.constant 0 : i32
      %add3A_54 = vector.broadcast %add3A_53 : i32 to vector<16xi32>
      %add3A_55 = arith.addi %add3A_52, %add3A_54 : vector<16xi32>
      %mul3A_56 = arith.constant 16 : i32
      %mul3A_57 = arith.muli %scan3A_18, %mul3A_56 : i32
      %add3A_58 = arith.constant 0 : i32
      %add3A_59 = arith.addi %add3A_58, %mul3A_57 : i32
      %swap3A = arith.index_cast %add3A_59 : i32 to index
      %swap3A_60 = tpu.vector_load %arg7[%swap3A] {strides = array<i32>} : memref<8192xi32, #tpu.memory_space<vmem>>, vector<16xi32>,
      tpu.vector_store %arg7[%swap3A], %add3A_55 {strides = array<i32>} : memref<8192xi32, #tpu.memory_space<vmem>>, vector<16xi32>,
      %add3A_61 = arith.constant 131072 : i32
      %add3A_62 = vector.broadcast %add3A_61 : i32 to vector<16xi32>
      %add3A_63 = arith.addi %add3A_52, %add3A_62 : vector<16xi32>
      %mul3A_64 = arith.constant 16 : i32
      %mul3A_65 = arith.muli %scan3A_18, %mul3A_64 : i32
      %add3A_66 = arith.constant 512 : i32
      %add3A_67 = arith.addi %add3A_66, %mul3A_65 : i32
      %swap3A_68 = arith.index_cast %add3A_67 : i32 to index
      %swap3A_69 = tpu.vector_load %arg7[%swap3A_68] {strides = array<i32>} : memref<8192xi32, #tpu.memory_space<vmem>>, vector<16xi32>,
      tpu.vector_store %arg7[%swap3A_68], %add3A_63 {strides = array<i32>} : memref<8192xi32, #tpu.memory_space<vmem>>, vector<16xi32>,
      %add3A_70 = arith.constant 262144 : i32
      %add3A_71 = vector.broadcast %add3A_70 : i32 to vector<16xi32>
      %add3A_72 = arith.addi %add3A_52, %add3A_71 : vector<16xi32>
      %mul3A_73 = arith.constant 16 : i32
      %mul3A_74 = arith.muli %scan3A_18, %mul3A_73 : i32
      %add3A_75 = arith.constant 1024 : i32
      %add3A_76 = arith.addi %add3A_75, %mul3A_74 : i32
      %swap3A_77 = arith.index_cast %add3A_76 : i32 to index
      %swap3A_78 = tpu.vector_load %arg7[%swap3A_77] {strides = array<i32>} : memref<8192xi32, #tpu.memory_space<vmem>>, vector<16xi32>,
      tpu.vector_store %arg7[%swap3A_77], %add3A_72 {strides = array<i32>} : memref<8192xi32, #tpu.memory_space<vmem>>, vector<16xi32>,
      %add3A_79 = arith.constant 393216 : i32
      %add3A_80 = vector.broadcast %add3A_79 : i32 to vector<16xi32>
      %add3A_81 = arith.addi %add3A_52, %add3A_80 : vector<16xi32>
      %mul3A_82 = arith.constant 16 : i32
      %mul3A_83 = arith.muli %scan3A_18, %mul3A_82 : i32
      %add3A_84 = arith.constant 1536 : i32
      %add3A_85 = arith.addi %add3A_84, %mul3A_83 : i32
      %swap3A_86 = arith.index_cast %add3A_85 : i32 to index
      %swap3A_87 = tpu.vector_load %arg7[%swap3A_86] {strides = array<i32>} : memref<8192xi32, #tpu.memory_space<vmem>>, vector<16xi32>,
      tpu.vector_store %arg7[%swap3A_86], %add3A_81 {strides = array<i32>} : memref<8192xi32, #tpu.memory_space<vmem>>, vector<16xi32>,
      %add3A_88 = arith.constant 524288 : i32
      %add3A_89 = vector.broadcast %add3A_88 : i32 to vector<16xi32>
      %add3A_90 = arith.addi %add3A_52, %add3A_89 : vector<16xi32>
      %mul3A_91 = arith.constant 16 : i32
      %mul3A_92 = arith.muli %scan3A_18, %mul3A_91 : i32
      %add3A_93 = arith.constant 2048 : i32
      %add3A_94 = arith.addi %add3A_93, %mul3A_92 : i32
      %swap3A_95 = arith.index_cast %add3A_94 : i32 to index
      %swap3A_96 = tpu.vector_load %arg7[%swap3A_95] {strides = array<i32>} : memref<8192xi32, #tpu.memory_space<vmem>>, vector<16xi32>,
      tpu.vector_store %arg7[%swap3A_95], %add3A_90 {strides = array<i32>} : memref<8192xi32, #tpu.memory_space<vmem>>, vector<16xi32>,
      %add3A_97 = arith.constant 655360 : i32
      %add3A_98 = vector.broadcast %add3A_97 : i32 to vector<16xi32>
      %add3A_99 = arith.addi %add3A_52, %add3A_98 : vector<16xi32>
      %mul3A_100 = arith.constant 16 : i32
      %mul3A_101 = arith.muli %scan3A_18, %mul3A_100 : i32
      %add3A_102 = arith.constant 2560 : i32
      %add3A_103 = arith.addi %add3A_102, %mul3A_101 : i32
      %swap3A_104 = arith.index_cast %add3A_103 : i32 to index
      %swap3A_105 = tpu.vector_load %arg7[%swap3A_104] {strides = array<i32>} : memref<8192xi32, #tpu.memory_space<vmem>>, vector<16xi32>,
      tpu.vector_store %arg7[%swap3A_104], %add3A_99 {strides = array<i32>} : memref<8192xi32, #tpu.memory_space<vmem>>, vector<16xi32>,
      %add3A_106 = arith.constant 786432 : i32
      %add3A_107 = vector.broadcast %add3A_106 : i32 to vector<16xi32>
      %add3A_108 = arith.addi %add3A_52, %add3A_107 : vector<16xi32>
      %mul3A_109 = arith.constant 16 : i32
      %mul3A_110 = arith.muli %scan3A_18, %mul3A_109 : i32
      %add3A_111 = arith.constant 3072 : i32
      %add3A_112 = arith.addi %add3A_111, %mul3A_110 : i32
      %swap3A_113 = arith.index_cast %add3A_112 : i32 to index
      %swap3A_114 = tpu.vector_load %arg7[%swap3A_113] {strides = array<i32>} : memref<8192xi32, #tpu.memory_space<vmem>>, vector<16xi32>,
      tpu.vector_store %arg7[%swap3A_113], %add3A_108 {strides = array<i32>} : memref<8192xi32, #tpu.memory_space<vmem>>, vector<16xi32>,
      %add3A_115 = arith.constant 917504 : i32
      %add3A_116 = vector.broadcast %add3A_115 : i32 to vector<16xi32>
      %add3A_117 = arith.addi %add3A_52, %add3A_116 : vector<16xi32>
      %mul3A_118 = arith.constant 16 : i32
      %mul3A_119 = arith.muli %scan3A_18, %mul3A_118 : i32
      %add3A_120 = arith.constant 3584 : i32
      %add3A_121 = arith.addi %add3A_120, %mul3A_119 : i32
      %swap3A_122 = arith.index_cast %add3A_121 : i32 to index
      %swap3A_123 = tpu.vector_load %arg7[%swap3A_122] {strides = array<i32>} : memref<8192xi32, #tpu.memory_space<vmem>>, vector<16xi32>,
      tpu.vector_store %arg7[%swap3A_122], %add3A_117 {strides = array<i32>} : memref<8192xi32, #tpu.memory_space<vmem>>, vector<16xi32>,
      %add3A_124 = arith.constant 1048576 : i32
      %add3A_125 = vector.broadcast %add3A_124 : i32 to vector<16xi32>
      %add3A_126 = arith.addi %add3A_52, %add3A_125 : vector<16xi32>
      %mul3A_127 = arith.constant 16 : i32
      %mul3A_128 = arith.muli %scan3A_18, %mul3A_127 : i32
      %add3A_129 = arith.constant 4096 : i32
      %add3A_130 = arith.addi %add3A_129, %mul3A_128 : i32
      %swap3A_131 = arith.index_cast %add3A_130 : i32 to index
      %swap3A_132 = tpu.vector_load %arg7[%swap3A_131] {strides = array<i32>} : memref<8192xi32, #tpu.memory_space<vmem>>, vector<16xi32>,
      tpu.vector_store %arg7[%swap3A_131], %add3A_126 {strides = array<i32>} : memref<8192xi32, #tpu.memory_space<vmem>>, vector<16xi32>,
      %add3A_133 = arith.constant 1179648 : i32
      %add3A_134 = vector.broadcast %add3A_133 : i32 to vector<16xi32>
      %add3A_135 = arith.addi %add3A_52, %add3A_134 : vector<16xi32>
      %mul3A_136 = arith.constant 16 : i32
      %mul3A_137 = arith.muli %scan3A_18, %mul3A_136 : i32
      %add3A_138 = arith.constant 4608 : i32
      %add3A_139 = arith.addi %add3A_138, %mul3A_137 : i32
      %swap3A_140 = arith.index_cast %add3A_139 : i32 to index
      %swap3A_141 = tpu.vector_load %arg7[%swap3A_140] {strides = array<i32>} : memref<8192xi32, #tpu.memory_space<vmem>>, vector<16xi32>,
      tpu.vector_store %arg7[%swap3A_140], %add3A_135 {strides = array<i32>} : memref<8192xi32, #tpu.memory_space<vmem>>, vector<16xi32>,
      %add3A_142 = arith.constant 1310720 : i32
      %add3A_143 = vector.broadcast %add3A_142 : i32 to vector<16xi32>
      %add3A_144 = arith.addi %add3A_52, %add3A_143 : vector<16xi32>
      %mul3A_145 = arith.constant 16 : i32
      %mul3A_146 = arith.muli %scan3A_18, %mul3A_145 : i32
      %add3A_147 = arith.constant 5120 : i32
      %add3A_148 = arith.addi %add3A_147, %mul3A_146 : i32
      %swap3A_149 = arith.index_cast %add3A_148 : i32 to index
      %swap3A_150 = tpu.vector_load %arg7[%swap3A_149] {strides = array<i32>} : memref<8192xi32, #tpu.memory_space<vmem>>, vector<16xi32>,
      tpu.vector_store %arg7[%swap3A_149], %add3A_144 {strides = array<i32>} : memref<8192xi32, #tpu.memory_space<vmem>>, vector<16xi32>,
      %add3A_151 = arith.constant 1441792 : i32
      %add3A_152 = vector.broadcast %add3A_151 : i32 to vector<16xi32>
      %add3A_153 = arith.addi %add3A_52, %add3A_152 : vector<16xi32>
      %mul3A_154 = arith.constant 16 : i32
      %mul3A_155 = arith.muli %scan3A_18, %mul3A_154 : i32
      %add3A_156 = arith.constant 5632 : i32
      %add3A_157 = arith.addi %add3A_156, %mul3A_155 : i32
      %swap3A_158 = arith.index_cast %add3A_157 : i32 to index
      %swap3A_159 = tpu.vector_load %arg7[%swap3A_158] {strides = array<i32>} : memref<8192xi32, #tpu.memory_space<vmem>>, vector<16xi32>,
      tpu.vector_store %arg7[%swap3A_158], %add3A_153 {strides = array<i32>} : memref<8192xi32, #tpu.memory_space<vmem>>, vector<16xi32>,
      %add3A_160 = arith.constant 1572864 : i32
      %add3A_161 = vector.broadcast %add3A_160 : i32 to vector<16xi32>
      %add3A_162 = arith.addi %add3A_52, %add3A_161 : vector<16xi32>
      %mul3A_163 = arith.constant 16 : i32
      %mul3A_164 = arith.muli %scan3A_18, %mul3A_163 : i32
      %add3A_165 = arith.constant 6144 : i32
      %add3A_166 = arith.addi %add3A_165, %mul3A_164 : i32
      %swap3A_167 = arith.index_cast %add3A_166 : i32 to index
      %swap3A_168 = tpu.vector_load %arg7[%swap3A_167] {strides = array<i32>} : memref<8192xi32, #tpu.memory_space<vmem>>, vector<16xi32>,
      tpu.vector_store %arg7[%swap3A_167], %add3A_162 {strides = array<i32>} : memref<8192xi32, #tpu.memory_space<vmem>>, vector<16xi32>,
      %add3A_169 = arith.constant 1703936 : i32
      %add3A_170 = vector.broadcast %add3A_169 : i32 to vector<16xi32>
      %add3A_171 = arith.addi %add3A_52, %add3A_170 : vector<16xi32>
      %mul3A_172 = arith.constant 16 : i32
      %mul3A_173 = arith.muli %scan3A_18, %mul3A_172 : i32
      %add3A_174 = arith.constant 6656 : i32
      %add3A_175 = arith.addi %add3A_174, %mul3A_173 : i32
      %swap3A_176 = arith.index_cast %add3A_175 : i32 to index
      %swap3A_177 = tpu.vector_load %arg7[%swap3A_176] {strides = array<i32>} : memref<8192xi32, #tpu.memory_space<vmem>>, vector<16xi32>,
      tpu.vector_store %arg7[%swap3A_176], %add3A_171 {strides = array<i32>} : memref<8192xi32, #tpu.memory_space<vmem>>, vector<16xi32>,
      %add3A_178 = arith.constant 1835008 : i32
      %add3A_179 = vector.broadcast %add3A_178 : i32 to vector<16xi32>
      %add3A_180 = arith.addi %add3A_52, %add3A_179 : vector<16xi32>
      %mul3A_181 = arith.constant 16 : i32
      %mul3A_182 = arith.muli %scan3A_18, %mul3A_181 : i32
      %add3A_183 = arith.constant 7168 : i32
      %add3A_184 = arith.addi %add3A_183, %mul3A_182 : i32
      %swap3A_185 = arith.index_cast %add3A_184 : i32 to index
      %swap3A_186 = tpu.vector_load %arg7[%swap3A_185] {strides = array<i32>} : memref<8192xi32, #tpu.memory_space<vmem>>, vector<16xi32>,
      tpu.vector_store %arg7[%swap3A_185], %add3A_180 {strides = array<i32>} : memref<8192xi32, #tpu.memory_space<vmem>>, vector<16xi32>,
      %add3A_187 = arith.constant 1966080 : i32
      %add3A_188 = vector.broadcast %add3A_187 : i32 to vector<16xi32>
      %add3A_189 = arith.addi %add3A_52, %add3A_188 : vector<16xi32>
      %mul3A_190 = arith.constant 16 : i32
      %mul3A_191 = arith.muli %scan3A_18, %mul3A_190 : i32
      %add3A_192 = arith.constant 7680 : i32
      %add3A_193 = arith.addi %add3A_192, %mul3A_191 : i32
      %swap3A_194 = arith.index_cast %add3A_193 : i32 to index
      %swap3A_195 = tpu.vector_load %arg7[%swap3A_194] {strides = array<i32>} : memref<8192xi32, #tpu.memory_space<vmem>>, vector<16xi32>,
      tpu.vector_store %arg7[%swap3A_194], %add3A_189 {strides = array<i32>} : memref<8192xi32, #tpu.memory_space<vmem>>, vector<16xi32>,
    }
    %scan3A_7 = arith.constant 32 : i32
    %dma_start3A = arith.constant 0 : i32
    %dma_start3A_8 = tpu.memref_slice %arg3[%dma_start3A] : memref<16777216xf32, #tpu.memory_space<hbm>> -> memref<16777216xf32, #tpu.memory_space<hbm>>
    tpu.enqueue_indirect_dma source(%dma_start3A_8 : memref<16777216xf32, #tpu.memory_space<hbm>>) target(%arg9 : memref<8192xf32, #tpu.memory_space<vmem>>) offsets(%arg7 : memref<8192xi32, #tpu.memory_space<vmem>>) semaphore(%arg11 : memref<!tpu.dma_semaphore, #tpu.memory_space<semaphore_mem>>)
    %mul3A_9 = arith.constant 8192 : i32
    %mul3A_10 = arith.muli %add3A, %mul3A_9 : i32
    "tpu.region"() ({
      %run_scoped3A = tpu.sem_alloc : memref<!tpu.dma_semaphore, #tpu.memory_space<semaphore_mem>>
      %dma_start3A_18 = tpu.memref_slice %arg4[%mul3A_10] : memref<262144xf32, #tpu.memory_space<hbm>> -> memref<8192xf32, #tpu.memory_space<hbm>>
      %dma_start3A_19 = tpu.memref_slice %arg4[%mul3A_10] : memref<262144xf32, #tpu.memory_space<hbm>> -> memref<8192xf32, #tpu.memory_space<hbm>>
      tpu.enqueue_dma source(%dma_start3A_19 : memref<8192xf32, #tpu.memory_space<hbm>>) target(%arg8 : memref<8192xf32, #tpu.memory_space<vmem>>) target_semaphore(%run_scoped3A : memref<!tpu.dma_semaphore, #tpu.memory_space<semaphore_mem>>)
      %dma_wait3A_20 = tpu.memref_slice %arg4[%mul3A_10] : memref<262144xf32, #tpu.memory_space<hbm>> -> memref<8192xf32, #tpu.memory_space<hbm>>
      %dma_wait3A_21 = tpu.memref_slice %arg4[%mul3A_10] : memref<262144xf32, #tpu.memory_space<hbm>> -> memref<8192xf32, #tpu.memory_space<hbm>>
      tpu.wait_dma2 semaphore(%run_scoped3A : memref<!tpu.dma_semaphore, #tpu.memory_space<semaphore_mem>>) src(%dma_wait3A_21 : memref<8192xf32, #tpu.memory_space<hbm>>) dst(%arg8 : memref<8192xf32, #tpu.memory_space<vmem>>)
      tpu.yield
    }) : () -> ()
    %dma_wait3A = arith.constant 0 : i32
    %dma_wait3A_11 = tpu.memref_slice %arg3[%dma_wait3A] : memref<16777216xf32, #tpu.memory_space<hbm>> -> memref<16777216xf32, #tpu.memory_space<hbm>>
    tpu.wait_indirect_dma semaphore(%arg11 : memref<!tpu.dma_semaphore, #tpu.memory_space<semaphore_mem>>) src(%dma_wait3A_11 : memref<16777216xf32, #tpu.memory_space<hbm>>) dst(%arg9 : memref<8192xf32, #tpu.memory_space<vmem>>)
    %scan3A_12 = arith.constant 0 : i32
    %scan3A_13 = arith.constant 0 : i32
    %scan3A_14 = arith.constant 32 : i32
    %scan3A_15 = arith.addi %scan3A_13, %scan3A_14 : i32
    %scan3A_16 = arith.constant 1 : i32
    scf.for %scan3A_18 = %scan3A_13 to %scan3A_15 step %scan3A_16  : i32 {
      %mul3A_19 = arith.constant 16 : i32
      %mul3A_20 = arith.muli %scan3A_18, %mul3A_19 : i32
      %broadcast_in_dim3A = arith.constant 0.000000e+00 : f32
      %broadcast_in_dim3A_21 = vector.broadcast %broadcast_in_dim3A : f32 to vector<16xf32>
      %mul3A_22 = arith.constant 16 : i32
      %mul3A_23 = arith.muli %scan3A_18, %mul3A_22 : i32
      %add3A_24 = arith.constant 0 : i32
      %add3A_25 = arith.addi %add3A_24, %mul3A_23 : i32
      %get3A = arith.index_cast %add3A_25 : i32 to index
      %get3A_26 = tpu.vector_load %arg8[%get3A] {strides = array<i32>} : memref<8192xf32, #tpu.memory_space<vmem>>, vector<16xf32>,
      %get3A_27 = arith.index_cast %add3A_25 : i32 to index
      %get3A_28 = tpu.vector_load %arg9[%get3A_27] {strides = array<i32>} : memref<8192xf32, #tpu.memory_space<vmem>>, vector<16xf32>,
      %mul3A_29 = arith.mulf %get3A_26, %get3A_28 : vector<16xf32>
      %add3A_30 = arith.addf %broadcast_in_dim3A_21, %mul3A_29 : vector<16xf32>
      %mul3A_31 = arith.constant 16 : i32
      %mul3A_32 = arith.muli %scan3A_18, %mul3A_31 : i32
      %add3A_33 = arith.constant 512 : i32
      %add3A_34 = arith.addi %add3A_33, %mul3A_32 : i32
      %get3A_35 = arith.index_cast %add3A_34 : i32 to index
      %get3A_36 = tpu.vector_load %arg8[%get3A_35] {strides = array<i32>} : memref<8192xf32, #tpu.memory_space<vmem>>, vector<16xf32>,
      %get3A_37 = arith.index_cast %add3A_34 : i32 to index
      %get3A_38 = tpu.vector_load %arg9[%get3A_37] {strides = array<i32>} : memref<8192xf32, #tpu.memory_space<vmem>>, vector<16xf32>,
      %mul3A_39 = arith.mulf %get3A_36, %get3A_38 : vector<16xf32>
      %add3A_40 = arith.addf %add3A_30, %mul3A_39 : vector<16xf32>
      %mul3A_41 = arith.constant 16 : i32
      %mul3A_42 = arith.muli %scan3A_18, %mul3A_41 : i32
      %add3A_43 = arith.constant 1024 : i32
      %add3A_44 = arith.addi %add3A_43, %mul3A_42 : i32
      %get3A_45 = arith.index_cast %add3A_44 : i32 to index
      %get3A_46 = tpu.vector_load %arg8[%get3A_45] {strides = array<i32>} : memref<8192xf32, #tpu.memory_space<vmem>>, vector<16xf32>,
      %get3A_47 = arith.index_cast %add3A_44 : i32 to index
      %get3A_48 = tpu.vector_load %arg9[%get3A_47] {strides = array<i32>} : memref<8192xf32, #tpu.memory_space<vmem>>, vector<16xf32>,
      %mul3A_49 = arith.mulf %get3A_46, %get3A_48 : vector<16xf32>
      %add3A_50 = arith.addf %add3A_40, %mul3A_49 : vector<16xf32>
      %mul3A_51 = arith.constant 16 : i32
      %mul3A_52 = arith.muli %scan3A_18, %mul3A_51 : i32
      %add3A_53 = arith.constant 1536 : i32
      %add3A_54 = arith.addi %add3A_53, %mul3A_52 : i32
      %get3A_55 = arith.index_cast %add3A_54 : i32 to index
      %get3A_56 = tpu.vector_load %arg8[%get3A_55] {strides = array<i32>} : memref<8192xf32, #tpu.memory_space<vmem>>, vector<16xf32>,
      %get3A_57 = arith.index_cast %add3A_54 : i32 to index
      %get3A_58 = tpu.vector_load %arg9[%get3A_57] {strides = array<i32>} : memref<8192xf32, #tpu.memory_space<vmem>>, vector<16xf32>,
      %mul3A_59 = arith.mulf %get3A_56, %get3A_58 : vector<16xf32>
      %add3A_60 = arith.addf %add3A_50, %mul3A_59 : vector<16xf32>
      %mul3A_61 = arith.constant 16 : i32
      %mul3A_62 = arith.muli %scan3A_18, %mul3A_61 : i32
      %add3A_63 = arith.constant 2048 : i32
      %add3A_64 = arith.addi %add3A_63, %mul3A_62 : i32
      %get3A_65 = arith.index_cast %add3A_64 : i32 to index
      %get3A_66 = tpu.vector_load %arg8[%get3A_65] {strides = array<i32>} : memref<8192xf32, #tpu.memory_space<vmem>>, vector<16xf32>,
      %get3A_67 = arith.index_cast %add3A_64 : i32 to index
      %get3A_68 = tpu.vector_load %arg9[%get3A_67] {strides = array<i32>} : memref<8192xf32, #tpu.memory_space<vmem>>, vector<16xf32>,
      %mul3A_69 = arith.mulf %get3A_66, %get3A_68 : vector<16xf32>
      %add3A_70 = arith.addf %add3A_60, %mul3A_69 : vector<16xf32>
      %mul3A_71 = arith.constant 16 : i32
      %mul3A_72 = arith.muli %scan3A_18, %mul3A_71 : i32
      %add3A_73 = arith.constant 2560 : i32
      %add3A_74 = arith.addi %add3A_73, %mul3A_72 : i32
      %get3A_75 = arith.index_cast %add3A_74 : i32 to index
      %get3A_76 = tpu.vector_load %arg8[%get3A_75] {strides = array<i32>} : memref<8192xf32, #tpu.memory_space<vmem>>, vector<16xf32>,
      %get3A_77 = arith.index_cast %add3A_74 : i32 to index
      %get3A_78 = tpu.vector_load %arg9[%get3A_77] {strides = array<i32>} : memref<8192xf32, #tpu.memory_space<vmem>>, vector<16xf32>,
      %mul3A_79 = arith.mulf %get3A_76, %get3A_78 : vector<16xf32>
      %add3A_80 = arith.addf %add3A_70, %mul3A_79 : vector<16xf32>
      %mul3A_81 = arith.constant 16 : i32
      %mul3A_82 = arith.muli %scan3A_18, %mul3A_81 : i32
      %add3A_83 = arith.constant 3072 : i32
      %add3A_84 = arith.addi %add3A_83, %mul3A_82 : i32
      %get3A_85 = arith.index_cast %add3A_84 : i32 to index
      %get3A_86 = tpu.vector_load %arg8[%get3A_85] {strides = array<i32>} : memref<8192xf32, #tpu.memory_space<vmem>>, vector<16xf32>,
      %get3A_87 = arith.index_cast %add3A_84 : i32 to index
      %get3A_88 = tpu.vector_load %arg9[%get3A_87] {strides = array<i32>} : memref<8192xf32, #tpu.memory_space<vmem>>, vector<16xf32>,
      %mul3A_89 = arith.mulf %get3A_86, %get3A_88 : vector<16xf32>
      %add3A_90 = arith.addf %add3A_80, %mul3A_89 : vector<16xf32>
      %mul3A_91 = arith.constant 16 : i32
      %mul3A_92 = arith.muli %scan3A_18, %mul3A_91 : i32
      %add3A_93 = arith.constant 3584 : i32
      %add3A_94 = arith.addi %add3A_93, %mul3A_92 : i32
      %get3A_95 = arith.index_cast %add3A_94 : i32 to index
      %get3A_96 = tpu.vector_load %arg8[%get3A_95] {strides = array<i32>} : memref<8192xf32, #tpu.memory_space<vmem>>, vector<16xf32>,
      %get3A_97 = arith.index_cast %add3A_94 : i32 to index
      %get3A_98 = tpu.vector_load %arg9[%get3A_97] {strides = array<i32>} : memref<8192xf32, #tpu.memory_space<vmem>>, vector<16xf32>,
      %mul3A_99 = arith.mulf %get3A_96, %get3A_98 : vector<16xf32>
      %add3A_100 = arith.addf %add3A_90, %mul3A_99 : vector<16xf32>
      %mul3A_101 = arith.constant 16 : i32
      %mul3A_102 = arith.muli %scan3A_18, %mul3A_101 : i32
      %add3A_103 = arith.constant 4096 : i32
      %add3A_104 = arith.addi %add3A_103, %mul3A_102 : i32
      %get3A_105 = arith.index_cast %add3A_104 : i32 to index
      %get3A_106 = tpu.vector_load %arg8[%get3A_105] {strides = array<i32>} : memref<8192xf32, #tpu.memory_space<vmem>>, vector<16xf32>,
      %get3A_107 = arith.index_cast %add3A_104 : i32 to index
      %get3A_108 = tpu.vector_load %arg9[%get3A_107] {strides = array<i32>} : memref<8192xf32, #tpu.memory_space<vmem>>, vector<16xf32>,
      %mul3A_109 = arith.mulf %get3A_106, %get3A_108 : vector<16xf32>
      %add3A_110 = arith.addf %add3A_100, %mul3A_109 : vector<16xf32>
      %mul3A_111 = arith.constant 16 : i32
      %mul3A_112 = arith.muli %scan3A_18, %mul3A_111 : i32
      %add3A_113 = arith.constant 4608 : i32
      %add3A_114 = arith.addi %add3A_113, %mul3A_112 : i32
      %get3A_115 = arith.index_cast %add3A_114 : i32 to index
      %get3A_116 = tpu.vector_load %arg8[%get3A_115] {strides = array<i32>} : memref<8192xf32, #tpu.memory_space<vmem>>, vector<16xf32>,
      %get3A_117 = arith.index_cast %add3A_114 : i32 to index
      %get3A_118 = tpu.vector_load %arg9[%get3A_117] {strides = array<i32>} : memref<8192xf32, #tpu.memory_space<vmem>>, vector<16xf32>,
      %mul3A_119 = arith.mulf %get3A_116, %get3A_118 : vector<16xf32>
      %add3A_120 = arith.addf %add3A_110, %mul3A_119 : vector<16xf32>
      %mul3A_121 = arith.constant 16 : i32
      %mul3A_122 = arith.muli %scan3A_18, %mul3A_121 : i32
      %add3A_123 = arith.constant 5120 : i32
      %add3A_124 = arith.addi %add3A_123, %mul3A_122 : i32
      %get3A_125 = arith.index_cast %add3A_124 : i32 to index
      %get3A_126 = tpu.vector_load %arg8[%get3A_125] {strides = array<i32>} : memref<8192xf32, #tpu.memory_space<vmem>>, vector<16xf32>,
      %get3A_127 = arith.index_cast %add3A_124 : i32 to index
      %get3A_128 = tpu.vector_load %arg9[%get3A_127] {strides = array<i32>} : memref<8192xf32, #tpu.memory_space<vmem>>, vector<16xf32>,
      %mul3A_129 = arith.mulf %get3A_126, %get3A_128 : vector<16xf32>
      %add3A_130 = arith.addf %add3A_120, %mul3A_129 : vector<16xf32>
      %mul3A_131 = arith.constant 16 : i32
      %mul3A_132 = arith.muli %scan3A_18, %mul3A_131 : i32
      %add3A_133 = arith.constant 5632 : i32
      %add3A_134 = arith.addi %add3A_133, %mul3A_132 : i32
      %get3A_135 = arith.index_cast %add3A_134 : i32 to index
      %get3A_136 = tpu.vector_load %arg8[%get3A_135] {strides = array<i32>} : memref<8192xf32, #tpu.memory_space<vmem>>, vector<16xf32>,
      %get3A_137 = arith.index_cast %add3A_134 : i32 to index
      %get3A_138 = tpu.vector_load %arg9[%get3A_137] {strides = array<i32>} : memref<8192xf32, #tpu.memory_space<vmem>>, vector<16xf32>,
      %mul3A_139 = arith.mulf %get3A_136, %get3A_138 : vector<16xf32>
      %add3A_140 = arith.addf %add3A_130, %mul3A_139 : vector<16xf32>
      %mul3A_141 = arith.constant 16 : i32
      %mul3A_142 = arith.muli %scan3A_18, %mul3A_141 : i32
      %add3A_143 = arith.constant 6144 : i32
      %add3A_144 = arith.addi %add3A_143, %mul3A_142 : i32
      %get3A_145 = arith.index_cast %add3A_144 : i32 to index
      %get3A_146 = tpu.vector_load %arg8[%get3A_145] {strides = array<i32>} : memref<8192xf32, #tpu.memory_space<vmem>>, vector<16xf32>,
      %get3A_147 = arith.index_cast %add3A_144 : i32 to index
      %get3A_148 = tpu.vector_load %arg9[%get3A_147] {strides = array<i32>} : memref<8192xf32, #tpu.memory_space<vmem>>, vector<16xf32>,
      %mul3A_149 = arith.mulf %get3A_146, %get3A_148 : vector<16xf32>
      %add3A_150 = arith.addf %add3A_140, %mul3A_149 : vector<16xf32>
      %mul3A_151 = arith.constant 16 : i32
      %mul3A_152 = arith.muli %scan3A_18, %mul3A_151 : i32
      %add3A_153 = arith.constant 6656 : i32
      %add3A_154 = arith.addi %add3A_153, %mul3A_152 : i32
      %get3A_155 = arith.index_cast %add3A_154 : i32 to index
      %get3A_156 = tpu.vector_load %arg8[%get3A_155] {strides = array<i32>} : memref<8192xf32, #tpu.memory_space<vmem>>, vector<16xf32>,
      %get3A_157 = arith.index_cast %add3A_154 : i32 to index
      %get3A_158 = tpu.vector_load %arg9[%get3A_157] {strides = array<i32>} : memref<8192xf32, #tpu.memory_space<vmem>>, vector<16xf32>,
      %mul3A_159 = arith.mulf %get3A_156, %get3A_158 : vector<16xf32>
      %add3A_160 = arith.addf %add3A_150, %mul3A_159 : vector<16xf32>
      %mul3A_161 = arith.constant 16 : i32
      %mul3A_162 = arith.muli %scan3A_18, %mul3A_161 : i32
      %add3A_163 = arith.constant 7168 : i32
      %add3A_164 = arith.addi %add3A_163, %mul3A_162 : i32
      %get3A_165 = arith.index_cast %add3A_164 : i32 to index
      %get3A_166 = tpu.vector_load %arg8[%get3A_165] {strides = array<i32>} : memref<8192xf32, #tpu.memory_space<vmem>>, vector<16xf32>,
      %get3A_167 = arith.index_cast %add3A_164 : i32 to index
      %get3A_168 = tpu.vector_load %arg9[%get3A_167] {strides = array<i32>} : memref<8192xf32, #tpu.memory_space<vmem>>, vector<16xf32>,
      %mul3A_169 = arith.mulf %get3A_166, %get3A_168 : vector<16xf32>
      %add3A_170 = arith.addf %add3A_160, %mul3A_169 : vector<16xf32>
      %mul3A_171 = arith.constant 16 : i32
      %mul3A_172 = arith.muli %scan3A_18, %mul3A_171 : i32
      %add3A_173 = arith.constant 7680 : i32
      %add3A_174 = arith.addi %add3A_173, %mul3A_172 : i32
      %get3A_175 = arith.index_cast %add3A_174 : i32 to index
      %get3A_176 = tpu.vector_load %arg8[%get3A_175] {strides = array<i32>} : memref<8192xf32, #tpu.memory_space<vmem>>, vector<16xf32>,
      %get3A_177 = arith.index_cast %add3A_174 : i32 to index
      %get3A_178 = tpu.vector_load %arg9[%get3A_177] {strides = array<i32>} : memref<8192xf32, #tpu.memory_space<vmem>>, vector<16xf32>,
      %mul3A_179 = arith.mulf %get3A_176, %get3A_178 : vector<16xf32>
      %add3A_180 = arith.addf %add3A_170, %mul3A_179 : vector<16xf32>
      %swap3A = arith.index_cast %mul3A_20 : i32 to index
      %swap3A_181 = tpu.vector_load %arg10[%swap3A] {strides = array<i32>} : memref<512xf32, #tpu.memory_space<vmem>>, vector<16xf32>,
      tpu.vector_store %arg10[%swap3A], %add3A_180 {strides = array<i32>} : memref<512xf32, #tpu.memory_space<vmem>>, vector<16xf32>,
    }
    %scan3A_17 = arith.constant 32 : i32
    "tpu.region"() ({
      %run_scoped3A = tpu.sem_alloc : memref<!tpu.dma_semaphore, #tpu.memory_space<semaphore_mem>>
      %dma_start3A_18 = tpu.memref_slice %arg5[%mul3A_2] : memref<16384xf32, #tpu.memory_space<hbm>> -> memref<512xf32, #tpu.memory_space<hbm>>
      %dma_start3A_19 = tpu.memref_slice %arg5[%mul3A_2] : memref<16384xf32, #tpu.memory_space<hbm>> -> memref<512xf32, #tpu.memory_space<hbm>>
      tpu.enqueue_dma source(%arg10 : memref<512xf32, #tpu.memory_space<vmem>>) target(%dma_start3A_19 : memref<512xf32, #tpu.memory_space<hbm>>) target_semaphore(%run_scoped3A : memref<!tpu.dma_semaphore, #tpu.memory_space<semaphore_mem>>)
      %dma_wait3A_20 = tpu.memref_slice %arg5[%mul3A_2] : memref<16384xf32, #tpu.memory_space<hbm>> -> memref<512xf32, #tpu.memory_space<hbm>>
      %dma_wait3A_21 = tpu.memref_slice %arg5[%mul3A_2] : memref<16384xf32, #tpu.memory_space<hbm>> -> memref<512xf32, #tpu.memory_space<hbm>>
      tpu.wait_dma2 semaphore(%run_scoped3A : memref<!tpu.dma_semaphore, #tpu.memory_space<semaphore_mem>>) src(%arg10 : memref<512xf32, #tpu.memory_space<vmem>>) dst(%dma_wait3A_21 : memref<512xf32, #tpu.memory_space<hbm>>)
      tpu.yield
    }) : () -> ()
    return
  }
}

module attributes {stable_mosaic.version = 14 : i64} {
  func.func @_detile_kernel(%arg0: i32, %arg1: memref<16x131072xf32, #tpu.memory_space<vmem>>, %arg2: memref<2097152xf32, #tpu.memory_space<vmem>>) attributes {dimension_semantics = [#tpu.dimension_semantics<arbitrary>], iteration_bounds = array<i64: 8>, scalar_prefetch = 0 : i64, scratch_operands = 0 : i64, tpu.core_type = #tpu.core_type<tc>, window_params = [{transform_indices = @transform_0, window_bounds = array<i64: 16, 131072>}, {transform_indices = @transform_1, window_bounds = array<i64: 2097152>}]} {
    %get3A = arith.constant 0 : index
    %get3A_0 = arith.constant 0 : index
    %get3A_1 = vector.load %arg1[%get3A, %get3A_0] : memref<16x131072xf32, #tpu.memory_space<vmem>>, vector<1x131072xf32>
    %get3A_2 = vector.shape_cast %get3A_1 : vector<1x131072xf32> to vector<131072xf32>
    %swap3A = arith.constant 0 : index
    %swap3A_3 = vector.load %arg2[%swap3A] : memref<2097152xf32, #tpu.memory_space<vmem>>, vector<131072xf32>
    tpu.vector_store %arg2[%swap3A], %get3A_2 {strides = array<i32>} : memref<2097152xf32, #tpu.memory_space<vmem>>, vector<131072xf32>,
    %get3A_4 = arith.constant 1 : index
    %get3A_5 = arith.constant 0 : index
    %get3A_6 = vector.load %arg1[%get3A_4, %get3A_5] : memref<16x131072xf32, #tpu.memory_space<vmem>>, vector<1x131072xf32>
    %get3A_7 = vector.shape_cast %get3A_6 : vector<1x131072xf32> to vector<131072xf32>
    %swap3A_8 = arith.constant 131072 : index
    %swap3A_9 = vector.load %arg2[%swap3A_8] : memref<2097152xf32, #tpu.memory_space<vmem>>, vector<131072xf32>
    tpu.vector_store %arg2[%swap3A_8], %get3A_7 {strides = array<i32>} : memref<2097152xf32, #tpu.memory_space<vmem>>, vector<131072xf32>,
    %get3A_10 = arith.constant 2 : index
    %get3A_11 = arith.constant 0 : index
    %get3A_12 = vector.load %arg1[%get3A_10, %get3A_11] : memref<16x131072xf32, #tpu.memory_space<vmem>>, vector<1x131072xf32>
    %get3A_13 = vector.shape_cast %get3A_12 : vector<1x131072xf32> to vector<131072xf32>
    %swap3A_14 = arith.constant 262144 : index
    %swap3A_15 = vector.load %arg2[%swap3A_14] : memref<2097152xf32, #tpu.memory_space<vmem>>, vector<131072xf32>
    tpu.vector_store %arg2[%swap3A_14], %get3A_13 {strides = array<i32>} : memref<2097152xf32, #tpu.memory_space<vmem>>, vector<131072xf32>,
    %get3A_16 = arith.constant 3 : index
    %get3A_17 = arith.constant 0 : index
    %get3A_18 = vector.load %arg1[%get3A_16, %get3A_17] : memref<16x131072xf32, #tpu.memory_space<vmem>>, vector<1x131072xf32>
    %get3A_19 = vector.shape_cast %get3A_18 : vector<1x131072xf32> to vector<131072xf32>
    %swap3A_20 = arith.constant 393216 : index
    %swap3A_21 = vector.load %arg2[%swap3A_20] : memref<2097152xf32, #tpu.memory_space<vmem>>, vector<131072xf32>
    tpu.vector_store %arg2[%swap3A_20], %get3A_19 {strides = array<i32>} : memref<2097152xf32, #tpu.memory_space<vmem>>, vector<131072xf32>,
    %get3A_22 = arith.constant 4 : index
    %get3A_23 = arith.constant 0 : index
    %get3A_24 = vector.load %arg1[%get3A_22, %get3A_23] : memref<16x131072xf32, #tpu.memory_space<vmem>>, vector<1x131072xf32>
    %get3A_25 = vector.shape_cast %get3A_24 : vector<1x131072xf32> to vector<131072xf32>
    %swap3A_26 = arith.constant 524288 : index
    %swap3A_27 = vector.load %arg2[%swap3A_26] : memref<2097152xf32, #tpu.memory_space<vmem>>, vector<131072xf32>
    tpu.vector_store %arg2[%swap3A_26], %get3A_25 {strides = array<i32>} : memref<2097152xf32, #tpu.memory_space<vmem>>, vector<131072xf32>,
    %get3A_28 = arith.constant 5 : index
    %get3A_29 = arith.constant 0 : index
    %get3A_30 = vector.load %arg1[%get3A_28, %get3A_29] : memref<16x131072xf32, #tpu.memory_space<vmem>>, vector<1x131072xf32>
    %get3A_31 = vector.shape_cast %get3A_30 : vector<1x131072xf32> to vector<131072xf32>
    %swap3A_32 = arith.constant 655360 : index
    %swap3A_33 = vector.load %arg2[%swap3A_32] : memref<2097152xf32, #tpu.memory_space<vmem>>, vector<131072xf32>
    tpu.vector_store %arg2[%swap3A_32], %get3A_31 {strides = array<i32>} : memref<2097152xf32, #tpu.memory_space<vmem>>, vector<131072xf32>,
    %get3A_34 = arith.constant 6 : index
    %get3A_35 = arith.constant 0 : index
    %get3A_36 = vector.load %arg1[%get3A_34, %get3A_35] : memref<16x131072xf32, #tpu.memory_space<vmem>>, vector<1x131072xf32>
    %get3A_37 = vector.shape_cast %get3A_36 : vector<1x131072xf32> to vector<131072xf32>
    %swap3A_38 = arith.constant 786432 : index
    %swap3A_39 = vector.load %arg2[%swap3A_38] : memref<2097152xf32, #tpu.memory_space<vmem>>, vector<131072xf32>
    tpu.vector_store %arg2[%swap3A_38], %get3A_37 {strides = array<i32>} : memref<2097152xf32, #tpu.memory_space<vmem>>, vector<131072xf32>,
    %get3A_40 = arith.constant 7 : index
    %get3A_41 = arith.constant 0 : index
    %get3A_42 = vector.load %arg1[%get3A_40, %get3A_41] : memref<16x131072xf32, #tpu.memory_space<vmem>>, vector<1x131072xf32>
    %get3A_43 = vector.shape_cast %get3A_42 : vector<1x131072xf32> to vector<131072xf32>
    %swap3A_44 = arith.constant 917504 : index
    %swap3A_45 = vector.load %arg2[%swap3A_44] : memref<2097152xf32, #tpu.memory_space<vmem>>, vector<131072xf32>
    tpu.vector_store %arg2[%swap3A_44], %get3A_43 {strides = array<i32>} : memref<2097152xf32, #tpu.memory_space<vmem>>, vector<131072xf32>,
    %get3A_46 = arith.constant 8 : index
    %get3A_47 = arith.constant 0 : index
    %get3A_48 = vector.load %arg1[%get3A_46, %get3A_47] : memref<16x131072xf32, #tpu.memory_space<vmem>>, vector<1x131072xf32>
    %get3A_49 = vector.shape_cast %get3A_48 : vector<1x131072xf32> to vector<131072xf32>
    %swap3A_50 = arith.constant 1048576 : index
    %swap3A_51 = vector.load %arg2[%swap3A_50] : memref<2097152xf32, #tpu.memory_space<vmem>>, vector<131072xf32>
    tpu.vector_store %arg2[%swap3A_50], %get3A_49 {strides = array<i32>} : memref<2097152xf32, #tpu.memory_space<vmem>>, vector<131072xf32>,
    %get3A_52 = arith.constant 9 : index
    %get3A_53 = arith.constant 0 : index
    %get3A_54 = vector.load %arg1[%get3A_52, %get3A_53] : memref<16x131072xf32, #tpu.memory_space<vmem>>, vector<1x131072xf32>
    %get3A_55 = vector.shape_cast %get3A_54 : vector<1x131072xf32> to vector<131072xf32>
    %swap3A_56 = arith.constant 1179648 : index
    %swap3A_57 = vector.load %arg2[%swap3A_56] : memref<2097152xf32, #tpu.memory_space<vmem>>, vector<131072xf32>
    tpu.vector_store %arg2[%swap3A_56], %get3A_55 {strides = array<i32>} : memref<2097152xf32, #tpu.memory_space<vmem>>, vector<131072xf32>,
    %get3A_58 = arith.constant 10 : index
    %get3A_59 = arith.constant 0 : index
    %get3A_60 = vector.load %arg1[%get3A_58, %get3A_59] : memref<16x131072xf32, #tpu.memory_space<vmem>>, vector<1x131072xf32>
    %get3A_61 = vector.shape_cast %get3A_60 : vector<1x131072xf32> to vector<131072xf32>
    %swap3A_62 = arith.constant 1310720 : index
    %swap3A_63 = vector.load %arg2[%swap3A_62] : memref<2097152xf32, #tpu.memory_space<vmem>>, vector<131072xf32>
    tpu.vector_store %arg2[%swap3A_62], %get3A_61 {strides = array<i32>} : memref<2097152xf32, #tpu.memory_space<vmem>>, vector<131072xf32>,
    %get3A_64 = arith.constant 11 : index
    %get3A_65 = arith.constant 0 : index
    %get3A_66 = vector.load %arg1[%get3A_64, %get3A_65] : memref<16x131072xf32, #tpu.memory_space<vmem>>, vector<1x131072xf32>
    %get3A_67 = vector.shape_cast %get3A_66 : vector<1x131072xf32> to vector<131072xf32>
    %swap3A_68 = arith.constant 1441792 : index
    %swap3A_69 = vector.load %arg2[%swap3A_68] : memref<2097152xf32, #tpu.memory_space<vmem>>, vector<131072xf32>
    tpu.vector_store %arg2[%swap3A_68], %get3A_67 {strides = array<i32>} : memref<2097152xf32, #tpu.memory_space<vmem>>, vector<131072xf32>,
    %get3A_70 = arith.constant 12 : index
    %get3A_71 = arith.constant 0 : index
    %get3A_72 = vector.load %arg1[%get3A_70, %get3A_71] : memref<16x131072xf32, #tpu.memory_space<vmem>>, vector<1x131072xf32>
    %get3A_73 = vector.shape_cast %get3A_72 : vector<1x131072xf32> to vector<131072xf32>
    %swap3A_74 = arith.constant 1572864 : index
    %swap3A_75 = vector.load %arg2[%swap3A_74] : memref<2097152xf32, #tpu.memory_space<vmem>>, vector<131072xf32>
    tpu.vector_store %arg2[%swap3A_74], %get3A_73 {strides = array<i32>} : memref<2097152xf32, #tpu.memory_space<vmem>>, vector<131072xf32>,
    %get3A_76 = arith.constant 13 : index
    %get3A_77 = arith.constant 0 : index
    %get3A_78 = vector.load %arg1[%get3A_76, %get3A_77] : memref<16x131072xf32, #tpu.memory_space<vmem>>, vector<1x131072xf32>
    %get3A_79 = vector.shape_cast %get3A_78 : vector<1x131072xf32> to vector<131072xf32>
    %swap3A_80 = arith.constant 1703936 : index
    %swap3A_81 = vector.load %arg2[%swap3A_80] : memref<2097152xf32, #tpu.memory_space<vmem>>, vector<131072xf32>
    tpu.vector_store %arg2[%swap3A_80], %get3A_79 {strides = array<i32>} : memref<2097152xf32, #tpu.memory_space<vmem>>, vector<131072xf32>,
    %get3A_82 = arith.constant 14 : index
    %get3A_83 = arith.constant 0 : index
    %get3A_84 = vector.load %arg1[%get3A_82, %get3A_83] : memref<16x131072xf32, #tpu.memory_space<vmem>>, vector<1x131072xf32>
    %get3A_85 = vector.shape_cast %get3A_84 : vector<1x131072xf32> to vector<131072xf32>
    %swap3A_86 = arith.constant 1835008 : index
    %swap3A_87 = vector.load %arg2[%swap3A_86] : memref<2097152xf32, #tpu.memory_space<vmem>>, vector<131072xf32>
    tpu.vector_store %arg2[%swap3A_86], %get3A_85 {strides = array<i32>} : memref<2097152xf32, #tpu.memory_space<vmem>>, vector<131072xf32>,
    %get3A_88 = arith.constant 15 : index
    %get3A_89 = arith.constant 0 : index
    %get3A_90 = vector.load %arg1[%get3A_88, %get3A_89] : memref<16x131072xf32, #tpu.memory_space<vmem>>, vector<1x131072xf32>
    %get3A_91 = vector.shape_cast %get3A_90 : vector<1x131072xf32> to vector<131072xf32>
    %swap3A_92 = arith.constant 1966080 : index
    %swap3A_93 = vector.load %arg2[%swap3A_92] : memref<2097152xf32, #tpu.memory_space<vmem>>, vector<131072xf32>
    tpu.vector_store %arg2[%swap3A_92], %get3A_91 {strides = array<i32>} : memref<2097152xf32, #tpu.memory_space<vmem>>, vector<131072xf32>,
    return
  }
  func.func @transform_0(%arg0: i32) -> (i32, i32) {
    %c0_i32 = arith.constant 0 : i32
    %c0_i32_0 = arith.constant 0 : i32
    return %c0_i32, %arg0 : i32, i32
  }
  func.func @transform_1(%arg0: i32) -> i32 {
    %c0_i32 = arith.constant 0 : i32
    return %arg0 : i32
  }
}

</mosaic_0001>

<sc_bundles>
// kernel: kernel.6.cloned.1.call-start
scs
__scs_entry_jumppad:
0x0: {  	(pc) =	sbr.rel $0x88, $3  }
0x1: {  	(tag) =	ssettag $0x0;
	lr =	simm.s32 $0x1  }
0x2: {  	[smem:$0x3F9D] =	sst lr;
	_ =	strace $0xD0000000  }
0x3: {  	_ = 	snop  }
0x4: {  	_ = 	snop  }
0x5: {  	_ = 	snop  }
0x6: {  	_ = 	snop  }
0x7: {  	_ = 	snop  }
__scs_overlays_trampoline_lowered:
0x8: {  	[smem:$0x3FAC] =	sst s0  }
0x9: {  	[smem:$0x3FAD] =	sst s1  }
0xa: {  	[smem:$0x3FAE] =	sst s2  }
0xb: {  	[smem:$0x3FAF] =	sst s3  }
0xc: {  	[smem:$0x3FB0] =	sst s4  }
0xd: {  	[smem:$0x3FB1] =	sst s5  }
0xe: {  	[smem:$0x3FB2] =	sst s6  }
0xf: {  	[smem:$0x3FB3] =	sst s7  }
0x10: {  	[smem:$0x3FB4] =	sst s8  }
0x11: {  	[smem:$0x3FB5] =	sst s9;
	s0 =	simm.s32 @!p0 $0x0  }
0x12: {  	s1 =	sld [smem:$0x3F9B];
	s0 =	simm.s32 @p0 $0x1  }
0x13: {  	[smem:$0x3FB6] =	sst s0;
	s0 =	simm.s32 @!p1 $0x0  }
0x14: {  	s2 =	sld [smem:$0x3F9A];
	s0 =	simm.s32 @p1 $0x1  }
0x15: {  	[smem:$0x3FB7] =	sst s0;
	s0 =	simm.s32 @!p2 $0x0  }
0x16: {  	s3 =	sld [smem:$0x3FDB];
	s0 =	simm.s32 @p2 $0x1  }
0x17: {  	s4 =	simm.s32 $0x1BF5;
	[smem:$0x3FB9] =	sst s0  }
0x18: {  	s0 =	sld [smem:$0x3F9C];
	_ =	swait.ge [sflag:s4], $0x0  }
0x19: {  	s7 =	sld [smem:$0x3F9D]  }
0x1a: {  	s8 =	sadd.s32 $0xFFFFE003, lr  }
0x1b: {  	s9 =	sadd.s32 $0xFFFFFEF7, lr;
	s5 =	simm.s32 $0xFFFFFFFF;
	p2 =	slt.u32 s8, $0xFFFFF086  }
0x1c: {  	p1 =	slt.u32 s9, $0xF7A;
	s5 =	simm.s32 @!p2 $0x0  }
0x1d: {  	s5 =	simm.s32 @p1 $0x1;
	p0 =	seq.s32 s7, s2  }
0x1e: {  	s7 =	smul.u32 @!p0 $0xF7A, s2;
	p2 =	seq.s32 @!p0 s5, $0x0  }
0x1f: {  	s9 =	smul.u32 $0xF7A, s1;
	s8 =	simm.s32 @!p0 $0x1BF5;
	p2 =	por !p2, p0  }
0x20: {  	[sflag:s8] =	ssyncset.s32 @!p0 $0xFFFFF086;
	s6 =	sadd.s32 @!p0 s3, s7;
	s7 =	simm.s32 @!p0 $0x108  }
0x21: {  	s3 =	sadd.s32 s3, s9;
	s6 =	sadd.s32 @!p0 $0x88, s6;
	s7 =	simm.s32 @p2 $0x1082  }
0x22: {  	[simem:s7], [sflag:s8] =	dma.local @!p0 [hbm:s6], $0xF7A  }
0x23: {  	s9 =	sor.u32 $0xD0000000, s2;
	s6 =	simm.s32 $0x108;
	_ =	swait.ge @!p0 [sflag:s8], $0x0  }
0x24: {  	s3 =	sadd.s32 $0x88, s3;
	s6 =	simm.s32 @!p1 $0x1082;
	[sflag:s4] =	ssyncset.s32 $0xFFFFF086  }
0x25: {  	[simem:s6], [sflag:s4] =	dma.local [hbm:s3], $0xF7A  }
0x26: {  	[smem:$0x3F9D] =	sst s1;
	(tag) =	ssettag s2;
	_ =	strace s9  }
0x27: {  	s1 =	sld [smem:$0x3FAD]  }
0x28: {  	s2 =	sld [smem:$0x3FAE]  }
0x29: {  	s4 =	sld [smem:$0x3FB0]  }
0x2a: {  	p0 =	seq.s32 s5, $0x0;
	s5 =	sld [smem:$0x3FB1]  }
0x2b: {  	s6 =	sld [smem:$0x3FB2]  }
0x2c: {  	s7 =	sld [smem:$0x3FB3]  }
0x2d: {  	s3 =	simm.s32 $0x108;
	s8 =	sld [smem:$0x3FB4]  }
0x2e: {  	s3 =	simm.s32 @!p0 $0x1082;
	s9 =	sld [smem:$0x3FB5]  }
0x2f: {  	lr =	sadd.s32 s0, s3;
	s0 =	sld [smem:$0x3FAC]  }
0x30: {  	s3 =	sld [smem:$0x3FAF]  }
0x31: {  	[smem:$0x3FB8] =	sst s10  }
0x32: {  	s10 =	sld [smem:$0x3FB6];
	_ =	sdelay $0x3  }
0x33: {  	p0 =	seq.s32 s10, $0x1;
	s10 =	sld [smem:$0x3FB8];
	_ =	sdelay $0x3  }
0x34: {  	[smem:$0x3FB8] =	sst s10  }
0x35: {  	s10 =	sld [smem:$0x3FB7];
	_ =	sdelay $0x3  }
0x36: {  	p1 =	seq.s32 s10, $0x1;
	s10 =	sld [smem:$0x3FB8];
	_ =	sdelay $0x3  }
0x37: {  	[smem:$0x3FB8] =	sst s10  }
0x38: {  	s10 =	sld [smem:$0x3FB9]  }
0x39: {  	_ = 	snop;
	(pc) =	sbr.ind lr, $3  }
0x3a: {  	_ = 	snop  }
0x3b: {  	_ = 	snop  }
0x3c: {  	p2 =	seq.s32 s10, $0x1;
	s10 =	sld [smem:$0x3FB8]  }
0x3d: {  	_ =	shalt  }
0x3e: {  	_ =	shalt  }
0x3f: {  	_ =	shalt  }
0x40: {  	_ =	shalt  }
0x41: {  	_ =	shalt  }
0x42: {  	_ =	shalt  }
0x43: {  	_ =	shalt  }
0x44: {  	_ =	shalt  }
0x45: {  	_ =	shalt  }
0x46: {  	_ =	shalt  }
0x47: {  	_ =	shalt  }
0x48: {  	_ =	shalt  }
0x49: {  	_ =	shalt  }
0x4a: {  	_ =	shalt  }
0x4b: {  	_ =	shalt  }
0x4c: {  	_ =	shalt  }
0x4d: {  	_ =	shalt  }
0x4e: {  	_ =	shalt  }
0x4f: {  	_ =	shalt  }
0x50: {  	_ =	shalt  }
0x51: {  	_ =	shalt  }
0x52: {  	_ =	shalt  }
0x53: {  	_ =	shalt  }
0x54: {  	_ =	shalt  }
0x55: {  	_ =	shalt  }
0x56: {  	_ =	shalt  }
0x57: {  	_ =	shalt  }
0x58: {  	_ =	shalt  }
0x59: {  	_ =	shalt  }
0x5a: {  	_ =	shalt  }
0x5b: {  	_ =	shalt  }
0x5c: {  	_ =	shalt  }
0x5d: {  	_ =	shalt  }
0x5e: {  	_ =	shalt  }
0x5f: {  	_ =	shalt  }
0x60: {  	_ =	shalt  }
0x61: {  	_ =	shalt  }
0x62: {  	_ =	shalt  }
0x63: {  	_ =	shalt  }
0x64: {  	_ =	shalt  }
0x65: {  	_ =	shalt  }
0x66: {  	_ =	shalt  }
0x67: {  	_ =	shalt  }
0x68: {  	_ =	shalt  }
0x69: {  	_ =	shalt  }
0x6a: {  	_ =	shalt  }
0x6b: {  	_ =	shalt  }
0x6c: {  	_ =	shalt  }
0x6d: {  	_ =	shalt  }
0x6e: {  	_ =	shalt  }
0x6f: {  	_ =	shalt  }
0x70: {  	_ =	shalt  }
0x71: {  	_ =	shalt  }
0x72: {  	_ =	shalt  }
0x73: {  	_ =	shalt  }
0x74: {  	_ =	shalt  }
0x75: {  	_ =	shalt  }
0x76: {  	_ =	shalt  }
0x77: {  	_ =	shalt  }
0x78: {  	_ =	shalt  }
0x79: {  	_ =	shalt  }
0x7a: {  	_ =	shalt  }
0x7b: {  	_ =	shalt  }
0x7c: {  	_ =	shalt  }
0x7d: {  	_ =	shalt  }
0x7e: {  	_ =	shalt  }
0x7f: {  	_ =	shalt  }
0x80: {  	_ =	shalt  }
0x81: {  	_ =	shalt  }
0x82: {  	_ =	shalt  }
0x83: {  	_ =	shalt  }
0x84: {  	_ =	shalt  }
0x85: {  	_ =	shalt  }
0x86: {  	_ =	shalt  }
0x87: {  	_ =	shalt  }
.Lfunc_end0:
.L_simem_size_0:
called_computation_lowered:
.L_overlay_start_0:
0x88: {  	s2 =	sld [smem:$0x3FD9]  }
0x89: {  	s3 =	sld [smem:$0x3FFE];
	_ =	sdelay $0x1  }
0x8a: {  	s1 =	srdreg.scid  }
0x8b: {  	s0 =	sand.u32 $0x1, s1  }
0x8c: {  	s17 =	sshll.u32 s0, $0xA;
	s2 =	sadd.s32 s3, s2  }
0x8d: {  	s2 =	sadd.s32 s2, s17  }
0x8e: {  	[smem:$0x3FC4] =	sst s2  }
0x8f: {  	_ = 	snop  }
0x90: {  	s2 =	sld [smem:$0x3FC9];
	(tm) =	ssettm $0x1  }
0x91: {  	s18 =	sld [smem:$0x3FFB];
	_ =	sdelay $0x3  }
0x92: {  	_ =	strace s18  }
0x93: {  	s3 =	sld [smem:$0x3FFC];
	_ =	sdelay $0x3  }
0x94: {  	_ =	strace s3  }
0x95: {  	s3 =	sld [smem:$0x3FFD];
	_ =	sdelay $0x3  }
0x96: {  	_ =	strace s3  }
0x97: {  	_ =	strace $0x8FFFFFFF  }
0x98: {  	s19 =	sld [smem:$0x3FDB];
	_ =	sdelay $0x1  }
0x99: {  	s4 =	simm.s32 $_scs_section_size  }
0x9a: {  	s5 =	simm.s32 $_size__tile_overlayer_lowered;
	s6 =	simm.s32 $_tile_overlayer_lowered  }
0x9b: {  	s22 =	simm.s32 $0x1BFF;
	s21 =	sshll.u32 s6, $0x1;
	s3 =	sadd.s32 s4, s19  }
0x9c: {  	s7 =	simm.s32 $0x0;
	s20 =	sshll.u32 s5, $0x1;
	s5 =	sadd.s32 s21, s3  }
0x9d: {  	[timem:s7], [sflag:s22] =	dma.local [hbm:s5], s20  }
0x9e: {  	_ =	swait.ge [sflag:s22], s20  }
0x9f: {  	s4 =	ssub.s32 $0x0, s20;
	[sflag:s22] =	ssyncset.done $0x0  }
0xa0: {  	[sflag:s22] =	ssyncadd.s32 s4;
	_ =	sdelay $0x1  }
0xa1: {  	s23 =	simm.s32 $0x1B8B  }
0xa2: {  	_ =	swait.ge [sflag:s23], $0x1  }
0xa3: {  	[sflag:s23] =	ssyncset.done $0x0  }
0xa4: {  	s25 =	simm.s32 $0x1B8E;
	s24 =	sld [smem:$0x3FFE];
	[sflag:s23] =	ssyncadd.s32 $0xFFFFFFFF  }
0xa5: {  	s26 =	simm.s32 $execute0_lowered;
	[smem:$0x3FD2] =	sst s25  }
0xa6: {  	s5 =	sshll.u32 s26, $0x1;
	_ =	strace $0x80000046;
	[dreg:$0x1] =	wrdreg $0xFFFFFFFF  }
0xa7: {  	s28 =	simm.s32 $_size_execute0_lowered;
	s3 =	sadd.s32 s3, s5;
	[dreg:$0x0] =	wrdreg $0x0  }
0xa8: {  	s5 =	sshll.u32 s28, $0x1;
	[dreg:$0x2] =	wrdreg s3  }
0xa9: {  	[dreg:$0x3] =	wrdreg s5  }
0xaa: {  	[dreg:$0x4] =	wrdreg $0xC0  }
0xab: {  	_ =	task [dreg:s7], $0x5FFFF  }
0xac: {  	[dreg:$0x1] =	wrdreg $0xFFFFFFFF  }
0xad: {  	[dreg:$0x0] =	wrdreg $0x60  }
0xae: {  	[dreg:$0x2] =	wrdreg s2  }
0xaf: {  	[dreg:$0x3] =	wrdreg s24  }
0xb0: {  	[dreg:$0x4] =	wrdreg $0x9  }
0xb1: {  	_ =	task.clear_ibuf [dreg:s7], $0x5FFFF;
	_ =	strace $0x90000046  }
0xb2: {  	s29 =	simm.s32 $0x9;
	_ =	strace $0x80000048  }
0xb3: {  	_ =	swait.ge [sflag:s29], $0x1  }
0xb4: {  	[sflag:s29] =	ssyncadd.s32 $0xFFFFFFFF  }
0xb5: {  	_ =	strace $0x90000048  }
0xb6: {  	_ =	sfence  }
0xb7: {  	s30 =	sld [smem:$0x0];
	_ =	sdelay $0x2  }
0xb8: {  	s31 =	sshll.u32 s1, $0xD;
	s1 =	sshrl.u32 s1, $0x2  }
0xb9: {  	s3 =	sand.u32 $0x4000, s31;
	s1 =	sadd.s32 s1, s30  }
0xba: {  	s0 =	sor.u32 s3, s0;
	s1 =	sshll.u32 s1, $0x11  }
0xbb: {  	s0 =	sor.u32 s1, s0  }
0xbc: {  	s0 =	sadd.s32 $0x8F2B, s0  }
0xbd: {  	[sflag:s0] =	ssyncadd.remote.s32 $0x1  }
0xbe: {  	_ =	sfence.sel $0xFFFF  }
0xbf: {  	[dreg:$0x0] =	wrdreg $0xFFFFFFFF;
	(pc) =	sbr.abs _section_cstart, $3  }
0xc0: {  	[dreg:$0x1] =	wrdreg $0xFFFFFFFF  }
0xc1: {  	_ =	task.clear_ibuf [dreg:s7], $0x2FFFF;
	_ =	strace $0x9FFFFFFF  }
0xc2: {  	(tm) =	ssettm $0x7FFFFFFF  }
0xc3: {  	_ =	shalt  }
tec
execute0_lowered:
.L_overlay_start_1:
0x0: {  	(tag) =	ssettag $0x1  }
0x1: {  	s4 =	rddreg [dreg:$0x0]  }
0x2: {  	s5 =	rddreg [dreg:$0x1]  }
0x3: {  	s0 =	rddreg [dreg:$0x2]  }
0x4: {  	s2 =	simm.s32 $0x0;
	s3 =	srdreg.scid;
	s1 =	stileid.u32  }
0x5: {  	s10 =	simm.s32 $0x2200;
	s11 =	simm.s32 $0x1;
	s12 =	simm.s32 $0x0  }
0x6: {  	[smem:$0x7FF] =	sst s2;
	s3 =	sand.u32 $0x1, s3;
	s6 =	sshll.u32 s1, $0x1  }
0x7: {  	_ =	strace $0x80000047;
	s6 =	sor.u32 s3, s6;
	s7 =	ssub.s32 $0x2, s3  }
0x8: {  	s3 =	sadd.s32 $0x800, s5;
	s8 =	sshll.u32 s6, $0xA;
	s9 =	sshrl.u32 s7, $0x1  }
0x9: {  	s6 =	sshll.u32 s6, $0x6;
	s5 =	sadd.s32 s8, s5;
	s7 =	ssub.s32 s7, s9  }
0xa: {  	s4 =	sadd.s32 s4, s6;
	s8 =	simm.s32 $0x2000;
	s9 =	simm.s32 $0x200  }
0xb: {  	v0 =	vimm.s32 $0x0;
	s5 =	sadd.s32 $0x200800, s5;
	s6 =	smax.u32 s7, $0x1;
	s7 =	simm.s32 $0x2  }
.LBB2_1:
0xc: {  	[tilespmem:s2], [sflag:$0x2] =	stream.linear.gather [hbm4b:s4+s2], $0x200, $0x38;
	[tilespmem:$0x4200] =	vst v63  }
0xd: {  	_ =	swait.ge [sflag:s7], $0x200  }
0xe: {  	[sflag:s7] =	ssyncset.done $0x0  }
0xf: {  	s13 =	simm.s32 $0x0;
	[sflag:s7] =	ssyncadd.s32 $0xFFFFFE00  }
0x10: {  	v1 =	vld [tilespmem:s13+$0x0];
	_ =	sdelay $0x4  }
0x11: {  	v2 =	vshra.s32 v1, $0x1F;
	v3 =	vand.u32 $0x1FFFF, v1  }
0x12: {  	vm0 =	vlt.s32 v1, $0x1;
	v2 =	vshrl.u32 v2, $0xF;
	vm1 =	vne.s32 v3, $0x0  }
0x13: {  	v2 =	vadd.s32 v2, v1;
	vm0 =	vmand vm0, vm1  }
0x14: {  	v2 =	vshra.s32 v2, $0x11;
	v3 =	vsel vm0, $0xFFFFFFFF, v0  }
0x15: {  	v2 =	vadd.s32 v3, v2  }
0x16: {  	v3 =	vshll.u32 v2, $0x11  }
0x17: {  	v2 =	vshll.u32 v2, $0x15;
	v1 =	vsub.s32 v1, v3  }
0x18: {  	v1 =	vadd.s32 v2, v1  }
0x19: {  	[tilespmem:s13+$0x200] =	vst v1;
	v2 =	vadd.s32 $0x20000, v1;
	v7 =	vadd.s32 $0x40000, v1;
	v5 =	vadd.s32 $0x1E0000, v1  }
0x1a: {  	v6 =	vadd.s32 $0x60000, v1;
	v4 =	vadd.s32 $0x80000, v1;
	v3 =	vadd.s32 $0xA0000, v1;
	[tilespmem:s13+$0x2000] =	vst v5  }
0x1b: {  	s14 =	simm.s32 $0x10;
	s15 =	simm.s32 $0x80;
	v8 =	vadd.s32 $0xC0000, v1;
	[tilespmem:s13+$0x400] =	vst v2;
	v5 =	vadd.s32 $0xE0000, v1;
	v2 =	vadd.s32 $0x100000, v1  }
.LBB2_2:
0x1c: {  	p0 =	sne.s32 s15, $0x7C0;
	v9 =	vld [tilespmem:s14+$0x0];
	[tilespmem:s13+$0x600] =	vst v7;
	v7 =	vadd.s32 $0x120000, v1;
	v10 =	vadd.s32 $0x140000, v1;
	v11 =	vadd.s32 $0x160000, v1  }
0x1d: {  	v12 =	vadd.s32 $0x1A0000, v1;
	v13 =	vadd.s32 $0x1C0000, v1;
	[tilespmem:s13+$0x800] =	vst v6;
	v6 =	vadd.s32 $0x180000, v1  }
0x1e: {  	[tilespmem:s13+$0xA00] =	vst v4  }
0x1f: {  	[tilespmem:s13+$0xC00] =	vst v3  }
0x20: {  	[tilespmem:s13+$0xE00] =	vst v8  }
0x21: {  	v1 =	vshra.s32 v9, $0x1F;
	v3 =	vand.u32 $0x1FFFF, v9;
	[tilespmem:s13+$0x1000] =	vst v5  }
0x22: {  	vm0 =	vlt.s32 v9, $0x1;
	v1 =	vshrl.u32 v1, $0xF;
	vm1 =	vne.s32 v3, $0x0;
	[tilespmem:s13+$0x1200] =	vst v2  }
0x23: {  	v1 =	vadd.s32 v1, v9;
	vm0 =	vmand vm0, vm1;
	[tilespmem:s13+$0x1400] =	vst v7  }
0x24: {  	v1 =	vshra.s32 v1, $0x11;
	v2 =	vsel vm0, $0xFFFFFFFF, v0;
	[tilespmem:s13+$0x1600] =	vst v10  }
0x25: {  	v1 =	vadd.s32 v2, v1;
	[tilespmem:s13+$0x1800] =	vst v11  }
0x26: {  	v2 =	vshll.u32 v1, $0x11;
	[tilespmem:s13+$0x1A00] =	vst v6  }
.Ltmp0:
0x27: {  	v1 =	vshll.u32 v1, $0x15;
	v2 =	vsub.s32 v9, v2;
	[tilespmem:s13+$0x1C00] =	vst v12;
	(pc) =	sbr.rel @p0 .LBB2_2-.Ltmp0, $4  }
0x28: {  	v1 =	vadd.s32 v1, v2;
	[tilespmem:s13+$0x1E00] =	vst v13;
	s13 =	smov.u32 s14  }
0x29: {  	[tilespmem:s13+$0x200] =	vst v1;
	v2 =	vadd.s32 $0x20000, v1;
	v7 =	vadd.s32 $0x40000, v1;
	v5 =	vadd.s32 $0x1E0000, v1  }
0x2a: {  	v6 =	vadd.s32 $0x60000, v1;
	v4 =	vadd.s32 $0x80000, v1;
	v3 =	vadd.s32 $0xA0000, v1;
	[tilespmem:s13+$0x2000] =	vst v5  }
0x2b: {  	s14 =	sshra.s32 s15, $0x2;
	s15 =	sadd.s32 $0x40, s15;
	v8 =	vadd.s32 $0xC0000, v1;
	v5 =	vadd.s32 $0xE0000, v1;
	[tilespmem:s13+$0x400] =	vst v2;
	v2 =	vadd.s32 $0x100000, v1  }
0x2c: {  	v9 =	vld [tilespmem:s14+$0x0];
	[tilespmem:s13+$0x600] =	vst v7  }
0x2d: {  	[tilespmem:s13+$0x800] =	vst v6  }
0x2e: {  	[tilespmem:s13+$0xA00] =	vst v4  }
0x2f: {  	[tilespmem:s13+$0xC00] =	vst v3  }
0x30: {  	[tilespmem:s13+$0xE00] =	vst v8  }
0x31: {  	v3 =	vadd.s32 $0x120000, v1;
	[tilespmem:s13+$0x1000] =	vst v5;
	v60 =	vshra.s32 v9, $0x1F;
	v61 =	vand.u32 $0x1FFFF, v9  }
0x32: {  	[tilespmem:s13+$0x1200] =	vst v2;
	vm0 =	vlt.s32 v9, $0x1;
	v4 =	vshrl.u32 v60, $0xF;
	vm1 =	vne.s32 v61, $0x0  }
0x33: {  	v2 =	vadd.s32 $0x140000, v1;
	[tilespmem:s13+$0x1400] =	vst v3;
	v4 =	vadd.s32 v4, v9;
	vm0 =	vmand vm0, vm1  }
0x34: {  	v3 =	vadd.s32 $0x160000, v1;
	[tilespmem:s13+$0x1600] =	vst v2;
	v4 =	vshra.s32 v4, $0x11;
	v62 =	vsel vm0, $0xFFFFFFFF, v0  }
0x35: {  	v2 =	vadd.s32 $0x180000, v1;
	[tilespmem:s13+$0x1800] =	vst v3;
	v4 =	vadd.s32 v62, v4  }
0x36: {  	v3 =	vadd.s32 $0x1A0000, v1;
	[tilespmem:s13+$0x1A00] =	vst v2;
	v5 =	vshll.u32 v4, $0x11  }
0x37: {  	v1 =	vadd.s32 $0x1C0000, v1;
	[tilespmem:s13+$0x1C00] =	vst v3;
	v2 =	vshll.u32 v4, $0x15;
	v63 =	vsub.s32 v9, v5  }
0x38: {  	[tilespmem:s13+$0x1E00] =	vst v1;
	v2 =	vadd.s32 v2, v63  }
0x39: {  	[tilespmem:s14+$0x200] =	vst v2;
	v1 =	vadd.s32 $0x1E0000, v2  }
0x3a: {  	v3 =	vadd.s32 $0x20000, v2;
	[tilespmem:s14+$0x2000] =	vst v1  }
0x3b: {  	v1 =	vadd.s32 $0x40000, v2;
	[tilespmem:s14+$0x400] =	vst v3  }
0x3c: {  	v3 =	vadd.s32 $0x60000, v2;
	[tilespmem:s14+$0x600] =	vst v1  }
0x3d: {  	v1 =	vadd.s32 $0x80000, v2;
	[tilespmem:s14+$0x800] =	vst v3  }
0x3e: {  	v3 =	vadd.s32 $0xA0000, v2;
	[tilespmem:s14+$0xA00] =	vst v1  }
0x3f: {  	v1 =	vadd.s32 $0xC0000, v2;
	[tilespmem:s14+$0xC00] =	vst v3  }
0x40: {  	v3 =	vadd.s32 $0xE0000, v2;
	[tilespmem:s14+$0xE00] =	vst v1  }
0x41: {  	v1 =	vadd.s32 $0x100000, v2;
	[tilespmem:s14+$0x1000] =	vst v3  }
0x42: {  	v3 =	vadd.s32 $0x120000, v2;
	[tilespmem:s14+$0x1200] =	vst v1  }
0x43: {  	v1 =	vadd.s32 $0x140000, v2;
	[tilespmem:s14+$0x1400] =	vst v3  }
0x44: {  	v3 =	vadd.s32 $0x160000, v2;
	[tilespmem:s14+$0x1600] =	vst v1  }
0x45: {  	v1 =	vadd.s32 $0x180000, v2;
	[tilespmem:s14+$0x1800] =	vst v3  }
0x46: {  	v3 =	vadd.s32 $0x1A0000, v2;
	[tilespmem:s14+$0x1A00] =	vst v1  }
0x47: {  	v1 =	vadd.s32 $0x1C0000, v2;
	[tilespmem:s14+$0x1C00] =	vst v3  }
0x48: {  	[tilespmem:s14+$0x1E00] =	vst v1  }
0x49: {  	[tilespmem:s10], [sflag:$0x1] =	stream.indirect.gather [hbm4b:s3+s8], $0x1, s9, s8, $0xb8;
	[tilespmem:$0x4200] =	vst v63  }
0x4a: {  	s12 =	sadd.s32 $0x1, s12;
	_ =	swait.ge [sflag:s11], $0x2000  }
0x4b: {  	p0 =	sne.s32 s12, s6;
	[sflag:s11] =	ssyncset.done $0x0  }
.Ltmp1:
0x4c: {  	[sflag:s11] =	ssyncadd.s32 $0xFFFFE000;
	(pc) =	sbr.rel @p0 .LBB2_1-.Ltmp1, $4  }
0x4d: {  	[hbm4b:s5+s2] =	stream.linear.scatter [tilespmem:s10], [sflag:$0x2], $0x2000, $0x38;
	[tilespmem:$0x4200] =	vst v63  }
0x4e: {  	_ =	swait.ge [sflag:s7], $0x2000  }
0x4f: {  	[sflag:s7] =	ssyncset.done $0x0  }
0x50: {  	[sflag:s7] =	ssyncadd.s32 $0xFFFFE000  }
0x51: {  	_ =	sfence.sel $0x180000  }
0x52: {  	[bflag:$0x0] =	sbarrier.arrive $0xFFFF  }
0x53: {  	p0 =	sne.s32 s1, $0x0;
	_ =	strace $0x90000047  }
0x54: {  	s0 =	sadd.s32 @!p0 $0x100000, s0;
	[bflag:$0x2] =	sbarrier.arrive $0xFFFF  }
0x55: {  	[sflag:s0] =	ssyncadd.tile.s32 @!p0 $0x1;
	_ =	shalt  }
.Lfunc_end2:
_tile_overlayer_lowered:
.L_overlay_start_2:
0x56: {  	(tag) =	ssettag $0x2  }
0x57: {  	s0 =	rddreg [dreg:$0x0];
	s2 =	stileid.u32  }
0x58: {  	s1 =	rddreg [dreg:$0x1];
	p0 =	sne.s32 s2, $0x0  }
0x59: {  	s3 =	rddreg [dreg:$0x2];
	[bflag:$0x3] =	sbarrier.arrive $0xFFFF;
	s2 =	simm.s32 @!p0 $0x1C02  }
0x5a: {  	[timem:s3], [sflag:s2] =	dma.local @!p0 [hbm:s0], s1  }
0x5b: {  	s0 =	simm.s32 @!p0 $0x2  }
0x5c: {  	_ =	swait.ge @!p0 [sflag:s0], s1  }
0x5d: {  	s1 =	ssub.s32 @!p0 $0x0, s1;
	[sflag:s0] =	ssyncset.done @!p0 $0x0  }
0x5e: {  	[sflag:s0] =	ssyncadd.s32 @!p0 s1  }
0x5f: {  	[bflag:$0x3] =	sbarrier.arrive $0xFFFF  }
0x60: {  	_ =	shalt  }

// kernel: kernel.9.cloned.1.call-start
scs
__scs_entry_jumppad:
0x0: {  	(pc) =	sbr.rel $0x88, $3  }
0x1: {  	(tag) =	ssettag $0x0;
	lr =	simm.s32 $0x1  }
0x2: {  	[smem:$0x3F9D] =	sst lr;
	_ =	strace $0xD0000000  }
0x3: {  	_ = 	snop  }
0x4: {  	_ = 	snop  }
0x5: {  	_ = 	snop  }
0x6: {  	_ = 	snop  }
0x7: {  	_ = 	snop  }
__scs_overlays_trampoline_lowered:
0x8: {  	[smem:$0x3FAC] =	sst s0  }
0x9: {  	[smem:$0x3FAD] =	sst s1  }
0xa: {  	[smem:$0x3FAE] =	sst s2  }
0xb: {  	[smem:$0x3FAF] =	sst s3  }
0xc: {  	[smem:$0x3FB0] =	sst s4  }
0xd: {  	[smem:$0x3FB1] =	sst s5  }
0xe: {  	[smem:$0x3FB2] =	sst s6  }
0xf: {  	[smem:$0x3FB3] =	sst s7  }
0x10: {  	[smem:$0x3FB4] =	sst s8  }
0x11: {  	[smem:$0x3FB5] =	sst s9;
	s0 =	simm.s32 @!p0 $0x0  }
0x12: {  	s1 =	sld [smem:$0x3F9B];
	s0 =	simm.s32 @p0 $0x1  }
0x13: {  	[smem:$0x3FB6] =	sst s0;
	s0 =	simm.s32 @!p1 $0x0  }
0x14: {  	s2 =	sld [smem:$0x3F9A];
	s0 =	simm.s32 @p1 $0x1  }
0x15: {  	[smem:$0x3FB7] =	sst s0;
	s0 =	simm.s32 @!p2 $0x0  }
0x16: {  	s3 =	sld [smem:$0x3FDB];
	s0 =	simm.s32 @p2 $0x1  }
0x17: {  	s4 =	simm.s32 $0x1BF5;
	[smem:$0x3FB9] =	sst s0  }
0x18: {  	s0 =	sld [smem:$0x3F9C];
	_ =	swait.ge [sflag:s4], $0x0  }
0x19: {  	s7 =	sld [smem:$0x3F9D]  }
0x1a: {  	s8 =	sadd.s32 $0xFFFFE003, lr  }
0x1b: {  	s9 =	sadd.s32 $0xFFFFFEF7, lr;
	s5 =	simm.s32 $0xFFFFFFFF;
	p2 =	slt.u32 s8, $0xFFFFF086  }
0x1c: {  	p1 =	slt.u32 s9, $0xF7A;
	s5 =	simm.s32 @!p2 $0x0  }
0x1d: {  	s5 =	simm.s32 @p1 $0x1;
	p0 =	seq.s32 s7, s2  }
0x1e: {  	s7 =	smul.u32 @!p0 $0xF7A, s2;
	p2 =	seq.s32 @!p0 s5, $0x0  }
0x1f: {  	s9 =	smul.u32 $0xF7A, s1;
	s8 =	simm.s32 @!p0 $0x1BF5;
	p2 =	por !p2, p0  }
0x20: {  	[sflag:s8] =	ssyncset.s32 @!p0 $0xFFFFF086;
	s6 =	sadd.s32 @!p0 s3, s7;
	s7 =	simm.s32 @!p0 $0x108  }
0x21: {  	s3 =	sadd.s32 s3, s9;
	s6 =	sadd.s32 @!p0 $0x88, s6;
	s7 =	simm.s32 @p2 $0x1082  }
0x22: {  	[simem:s7], [sflag:s8] =	dma.local @!p0 [hbm:s6], $0xF7A  }
0x23: {  	s9 =	sor.u32 $0xD0000000, s2;
	s6 =	simm.s32 $0x108;
	_ =	swait.ge @!p0 [sflag:s8], $0x0  }
0x24: {  	s3 =	sadd.s32 $0x88, s3;
	s6 =	simm.s32 @!p1 $0x1082;
	[sflag:s4] =	ssyncset.s32 $0xFFFFF086  }
0x25: {  	[simem:s6], [sflag:s4] =	dma.local [hbm:s3], $0xF7A  }
0x26: {  	[smem:$0x3F9D] =	sst s1;
	(tag) =	ssettag s2;
	_ =	strace s9  }
0x27: {  	s1 =	sld [smem:$0x3FAD]  }
0x28: {  	s2 =	sld [smem:$0x3FAE]  }
0x29: {  	s4 =	sld [smem:$0x3FB0]  }
0x2a: {  	p0 =	seq.s32 s5, $0x0;
	s5 =	sld [smem:$0x3FB1]  }
0x2b: {  	s6 =	sld [smem:$0x3FB2]  }
0x2c: {  	s7 =	sld [smem:$0x3FB3]  }
0x2d: {  	s3 =	simm.s32 $0x108;
	s8 =	sld [smem:$0x3FB4]  }
0x2e: {  	s3 =	simm.s32 @!p0 $0x1082;
	s9 =	sld [smem:$0x3FB5]  }
0x2f: {  	lr =	sadd.s32 s0, s3;
	s0 =	sld [smem:$0x3FAC]  }
0x30: {  	s3 =	sld [smem:$0x3FAF]  }
0x31: {  	[smem:$0x3FB8] =	sst s10  }
0x32: {  	s10 =	sld [smem:$0x3FB6];
	_ =	sdelay $0x3  }
0x33: {  	p0 =	seq.s32 s10, $0x1;
	s10 =	sld [smem:$0x3FB8];
	_ =	sdelay $0x3  }
0x34: {  	[smem:$0x3FB8] =	sst s10  }
0x35: {  	s10 =	sld [smem:$0x3FB7];
	_ =	sdelay $0x3  }
0x36: {  	p1 =	seq.s32 s10, $0x1;
	s10 =	sld [smem:$0x3FB8];
	_ =	sdelay $0x3  }
0x37: {  	[smem:$0x3FB8] =	sst s10  }
0x38: {  	s10 =	sld [smem:$0x3FB9]  }
0x39: {  	_ = 	snop;
	(pc) =	sbr.ind lr, $3  }
0x3a: {  	_ = 	snop  }
0x3b: {  	_ = 	snop  }
0x3c: {  	p2 =	seq.s32 s10, $0x1;
	s10 =	sld [smem:$0x3FB8]  }
0x3d: {  	_ =	shalt  }
0x3e: {  	_ =	shalt  }
0x3f: {  	_ =	shalt  }
0x40: {  	_ =	shalt  }
0x41: {  	_ =	shalt  }
0x42: {  	_ =	shalt  }
0x43: {  	_ =	shalt  }
0x44: {  	_ =	shalt  }
0x45: {  	_ =	shalt  }
0x46: {  	_ =	shalt  }
0x47: {  	_ =	shalt  }
0x48: {  	_ =	shalt  }
0x49: {  	_ =	shalt  }
0x4a: {  	_ =	shalt  }
0x4b: {  	_ =	shalt  }
0x4c: {  	_ =	shalt  }
0x4d: {  	_ =	shalt  }
0x4e: {  	_ =	shalt  }
0x4f: {  	_ =	shalt  }
0x50: {  	_ =	shalt  }
0x51: {  	_ =	shalt  }
0x52: {  	_ =	shalt  }
0x53: {  	_ =	shalt  }
0x54: {  	_ =	shalt  }
0x55: {  	_ =	shalt  }
0x56: {  	_ =	shalt  }
0x57: {  	_ =	shalt  }
0x58: {  	_ =	shalt  }
0x59: {  	_ =	shalt  }
0x5a: {  	_ =	shalt  }
0x5b: {  	_ =	shalt  }
0x5c: {  	_ =	shalt  }
0x5d: {  	_ =	shalt  }
0x5e: {  	_ =	shalt  }
0x5f: {  	_ =	shalt  }
0x60: {  	_ =	shalt  }
0x61: {  	_ =	shalt  }
0x62: {  	_ =	shalt  }
0x63: {  	_ =	shalt  }
0x64: {  	_ =	shalt  }
0x65: {  	_ =	shalt  }
0x66: {  	_ =	shalt  }
0x67: {  	_ =	shalt  }
0x68: {  	_ =	shalt  }
0x69: {  	_ =	shalt  }
0x6a: {  	_ =	shalt  }
0x6b: {  	_ =	shalt  }
0x6c: {  	_ =	shalt  }
0x6d: {  	_ =	shalt  }
0x6e: {  	_ =	shalt  }
0x6f: {  	_ =	shalt  }
0x70: {  	_ =	shalt  }
0x71: {  	_ =	shalt  }
0x72: {  	_ =	shalt  }
0x73: {  	_ =	shalt  }
0x74: {  	_ =	shalt  }
0x75: {  	_ =	shalt  }
0x76: {  	_ =	shalt  }
0x77: {  	_ =	shalt  }
0x78: {  	_ =	shalt  }
0x79: {  	_ =	shalt  }
0x7a: {  	_ =	shalt  }
0x7b: {  	_ =	shalt  }
0x7c: {  	_ =	shalt  }
0x7d: {  	_ =	shalt  }
0x7e: {  	_ =	shalt  }
0x7f: {  	_ =	shalt  }
0x80: {  	_ =	shalt  }
0x81: {  	_ =	shalt  }
0x82: {  	_ =	shalt  }
0x83: {  	_ =	shalt  }
0x84: {  	_ =	shalt  }
0x85: {  	_ =	shalt  }
0x86: {  	_ =	shalt  }
0x87: {  	_ =	shalt  }
.Lfunc_end0:
.L_simem_size_0:
called_computation.1_lowered:
.L_overlay_start_0:
0x88: {  	s2 =	sld [smem:$0x3FD9]  }
0x89: {  	s3 =	sld [smem:$0x3FFE];
	_ =	sdelay $0x1  }
0x8a: {  	s1 =	srdreg.scid  }
0x8b: {  	s0 =	sand.u32 $0x1, s1  }
0x8c: {  	s17 =	sshll.u32 s0, $0xA;
	s2 =	sadd.s32 s3, s2  }
0x8d: {  	s2 =	sadd.s32 s2, s17  }
0x8e: {  	[smem:$0x3FC4] =	sst s2  }
0x8f: {  	_ = 	snop  }
0x90: {  	s2 =	sld [smem:$0x3FC8]  }
0x91: {  	s18 =	sld [smem:$0x3FD0];
	(tm) =	ssettm $0x1  }
0x92: {  	s4 =	sld [smem:$0x3FFB];
	_ =	sdelay $0x3  }
0x93: {  	_ =	strace s4  }
0x94: {  	s4 =	sld [smem:$0x3FFC];
	_ =	sdelay $0x3  }
0x95: {  	_ =	strace s4  }
0x96: {  	s4 =	sld [smem:$0x3FFD];
	_ =	sdelay $0x3  }
0x97: {  	_ =	strace s4  }
0x98: {  	_ =	strace $0x8FFFFFFF  }
0x99: {  	s19 =	sld [smem:$0x3FDB];
	_ =	sdelay $0x1  }
0x9a: {  	s5 =	simm.s32 $_scs_section_size  }
0x9b: {  	s6 =	simm.s32 $_size__tile_overlayer_lowered;
	s7 =	simm.s32 $_tile_overlayer_lowered  }
0x9c: {  	s22 =	simm.s32 $0x1BFF;
	s21 =	sshll.u32 s7, $0x1;
	s4 =	sadd.s32 s5, s19  }
0x9d: {  	s8 =	simm.s32 $0x0;
	s20 =	sshll.u32 s6, $0x1;
	s6 =	sadd.s32 s21, s4  }
0x9e: {  	[timem:s8], [sflag:s22] =	dma.local [hbm:s6], s20  }
0x9f: {  	_ =	swait.ge [sflag:s22], s20  }
0xa0: {  	s5 =	ssub.s32 $0x0, s20;
	[sflag:s22] =	ssyncset.done $0x0  }
0xa1: {  	[sflag:s22] =	ssyncadd.s32 s5;
	_ =	sdelay $0x1  }
0xa2: {  	s23 =	simm.s32 $0x1B8B  }
0xa3: {  	_ =	swait.ge [sflag:s23], $0x1  }
0xa4: {  	[sflag:s23] =	ssyncset.done $0x0  }
0xa5: {  	s25 =	simm.s32 $0x1B8E;
	s24 =	sld [smem:$0x3FFE];
	[sflag:s23] =	ssyncadd.s32 $0xFFFFFFFF  }
0xa6: {  	s26 =	simm.s32 $execute0_lowered;
	[smem:$0x3FD2] =	sst s25  }
0xa7: {  	s6 =	sshll.u32 s26, $0x1;
	_ =	strace $0x80000049;
	[dreg:$0x1] =	wrdreg $0xFFFFFFFF  }
0xa8: {  	s28 =	simm.s32 $_size_execute0_lowered;
	s4 =	sadd.s32 s4, s6;
	[dreg:$0x0] =	wrdreg $0x0  }
0xa9: {  	s6 =	sshll.u32 s28, $0x1;
	[dreg:$0x2] =	wrdreg s4  }
0xaa: {  	[dreg:$0x3] =	wrdreg s6  }
0xab: {  	[dreg:$0x4] =	wrdreg $0xC0  }
0xac: {  	_ =	task [dreg:s8], $0x5FFFF  }
0xad: {  	[dreg:$0x1] =	wrdreg $0xFFFFFFFF  }
0xae: {  	[dreg:$0x0] =	wrdreg $0x60  }
0xaf: {  	[dreg:$0x2] =	wrdreg s2  }
0xb0: {  	[dreg:$0x3] =	wrdreg s24  }
0xb1: {  	[dreg:$0x4] =	wrdreg s18  }
0xb2: {  	[dreg:$0x5] =	wrdreg $0x9  }
0xb3: {  	_ =	task.clear_ibuf [dreg:s8], $0x6FFFF;
	_ =	strace $0x90000049  }
0xb4: {  	s29 =	simm.s32 $0x9;
	_ =	strace $0x8000004B  }
0xb5: {  	_ =	swait.ge [sflag:s29], $0x1  }
0xb6: {  	[sflag:s29] =	ssyncadd.s32 $0xFFFFFFFF  }
0xb7: {  	_ =	strace $0x9000004B  }
0xb8: {  	_ =	sfence  }
0xb9: {  	s30 =	sld [smem:$0x0];
	_ =	sdelay $0x2  }
0xba: {  	s31 =	sshll.u32 s1, $0xD;
	s1 =	sshrl.u32 s1, $0x2  }
0xbb: {  	s3 =	sand.u32 $0x4000, s31;
	s1 =	sadd.s32 s1, s30  }
0xbc: {  	s0 =	sor.u32 s3, s0;
	s1 =	sshll.u32 s1, $0x11  }
0xbd: {  	s0 =	sor.u32 s1, s0  }
0xbe: {  	s0 =	sadd.s32 $0x8F2B, s0  }
0xbf: {  	[sflag:s0] =	ssyncadd.remote.s32 $0x1  }
0xc0: {  	_ =	sfence.sel $0xFFFF  }
0xc1: {  	[dreg:$0x0] =	wrdreg $0xFFFFFFFF;
	(pc) =	sbr.abs _section_cstart, $3  }
0xc2: {  	[dreg:$0x1] =	wrdreg $0xFFFFFFFF  }
0xc3: {  	_ =	task.clear_ibuf [dreg:s8], $0x2FFFF;
	_ =	strace $0x9FFFFFFF  }
0xc4: {  	(tm) =	ssettm $0x7FFFFFFF  }
0xc5: {  	_ =	shalt  }
tec
execute0_lowered:
.L_overlay_start_1:
0x0: {  	(tag) =	ssettag $0x1  }
0x1: {  	s4 =	rddreg [dreg:$0x0]  }
0x2: {  	s5 =	rddreg [dreg:$0x1]  }
0x3: {  	s6 =	rddreg [dreg:$0x2]  }
0x4: {  	s0 =	rddreg [dreg:$0x3]  }
0x5: {  	s2 =	simm.s32 $0x0;
	s3 =	srdreg.scid;
	s1 =	stileid.u32  }
0x6: {  	s11 =	simm.s32 $0x4200;
	s12 =	simm.s32 $0x2200;
	s13 =	simm.s32 $0x1  }
0x7: {  	s14 =	simm.s32 $0x6200;
	s15 =	simm.s32 $0x0;
	[smem:$0x7FF] =	sst s2  }
0x8: {  	s3 =	sand.u32 $0x1, s3;
	s7 =	sshll.u32 s1, $0x1;
	_ =	strace $0x8000004A  }
0x9: {  	s7 =	sor.u32 s3, s7;
	s8 =	ssub.s32 $0x2, s3;
	s3 =	sadd.s32 $0x208800, s5  }
0xa: {  	s9 =	sshll.u32 s7, $0xA;
	s10 =	sshrl.u32 s8, $0x1;
	s7 =	sshll.u32 s7, $0x6  }
0xb: {  	s5 =	sadd.s32 s9, s5;
	s8 =	ssub.s32 s8, s10;
	s4 =	sadd.s32 s4, s7  }
0xc: {  	s6 =	sadd.s32 s6, s7;
	s9 =	simm.s32 $0x2000;
	s10 =	simm.s32 $0x200  }
0xd: {  	v0 =	vimm.s32 $0x0;
	s5 =	sadd.s32 $0x200800, s5;
	s7 =	smax.u32 s8, $0x1;
	s8 =	simm.s32 $0x2  }
.LBB2_1:
0xe: {  	[tilespmem:s2], [sflag:$0x2] =	stream.linear.gather [hbm4b:s4+s2], $0x200, $0x38;
	[tilespmem:$0x6400] =	vst v63  }
0xf: {  	_ =	swait.ge [sflag:s8], $0x200  }
0x10: {  	[sflag:s8] =	ssyncset.done $0x0  }
0x11: {  	s16 =	simm.s32 $0x0;
	[sflag:s8] =	ssyncadd.s32 $0xFFFFFE00  }
0x12: {  	v1 =	vld [tilespmem:s16+$0x0];
	_ =	sdelay $0x4  }
0x13: {  	v2 =	vshra.s32 v1, $0x1F;
	v3 =	vand.u32 $0x1FFFF, v1  }
0x14: {  	vm0 =	vlt.s32 v1, $0x1;
	v2 =	vshrl.u32 v2, $0xF;
	vm1 =	vne.s32 v3, $0x0  }
0x15: {  	v2 =	vadd.s32 v2, v1;
	vm0 =	vmand vm0, vm1  }
0x16: {  	v2 =	vshra.s32 v2, $0x11;
	v3 =	vsel vm0, $0xFFFFFFFF, v0  }
0x17: {  	v2 =	vadd.s32 v3, v2  }
0x18: {  	v3 =	vshll.u32 v2, $0x11  }
0x19: {  	v2 =	vshll.u32 v2, $0x15;
	v1 =	vsub.s32 v1, v3  }
0x1a: {  	v1 =	vadd.s32 v2, v1  }
0x1b: {  	[tilespmem:s16+$0x200] =	vst v1;
	v2 =	vadd.s32 $0x20000, v1;
	v7 =	vadd.s32 $0x40000, v1;
	v5 =	vadd.s32 $0x1E0000, v1  }
0x1c: {  	v6 =	vadd.s32 $0x60000, v1;
	v4 =	vadd.s32 $0x80000, v1;
	v3 =	vadd.s32 $0xA0000, v1;
	[tilespmem:s16+$0x2000] =	vst v5  }
0x1d: {  	s17 =	simm.s32 $0x10;
	s18 =	simm.s32 $0x80;
	v8 =	vadd.s32 $0xC0000, v1;
	[tilespmem:s16+$0x400] =	vst v2;
	v5 =	vadd.s32 $0xE0000, v1;
	v2 =	vadd.s32 $0x100000, v1  }
.LBB2_2:
0x1e: {  	p0 =	sne.s32 s18, $0x7C0;
	v9 =	vld [tilespmem:s17+$0x0];
	[tilespmem:s16+$0x600] =	vst v7;
	v7 =	vadd.s32 $0x120000, v1;
	v10 =	vadd.s32 $0x140000, v1;
	v11 =	vadd.s32 $0x160000, v1  }
0x1f: {  	v12 =	vadd.s32 $0x1A0000, v1;
	v13 =	vadd.s32 $0x1C0000, v1;
	[tilespmem:s16+$0x800] =	vst v6;
	v6 =	vadd.s32 $0x180000, v1  }
0x20: {  	[tilespmem:s16+$0xA00] =	vst v4  }
0x21: {  	[tilespmem:s16+$0xC00] =	vst v3  }
0x22: {  	[tilespmem:s16+$0xE00] =	vst v8  }
0x23: {  	v1 =	vshra.s32 v9, $0x1F;
	v3 =	vand.u32 $0x1FFFF, v9;
	[tilespmem:s16+$0x1000] =	vst v5  }
0x24: {  	vm0 =	vlt.s32 v9, $0x1;
	v1 =	vshrl.u32 v1, $0xF;
	vm1 =	vne.s32 v3, $0x0;
	[tilespmem:s16+$0x1200] =	vst v2  }
0x25: {  	v1 =	vadd.s32 v1, v9;
	vm0 =	vmand vm0, vm1;
	[tilespmem:s16+$0x1400] =	vst v7  }
0x26: {  	v1 =	vshra.s32 v1, $0x11;
	v2 =	vsel vm0, $0xFFFFFFFF, v0;
	[tilespmem:s16+$0x1600] =	vst v10  }
0x27: {  	v1 =	vadd.s32 v2, v1;
	[tilespmem:s16+$0x1800] =	vst v11  }
0x28: {  	v2 =	vshll.u32 v1, $0x11;
	[tilespmem:s16+$0x1A00] =	vst v6  }
.Ltmp0:
0x29: {  	v1 =	vshll.u32 v1, $0x15;
	v2 =	vsub.s32 v9, v2;
	[tilespmem:s16+$0x1C00] =	vst v12;
	(pc) =	sbr.rel @p0 .LBB2_2-.Ltmp0, $4  }
0x2a: {  	v1 =	vadd.s32 v1, v2;
	[tilespmem:s16+$0x1E00] =	vst v13;
	s16 =	smov.u32 s17  }
0x2b: {  	[tilespmem:s16+$0x200] =	vst v1;
	v2 =	vadd.s32 $0x20000, v1;
	v7 =	vadd.s32 $0x40000, v1;
	v5 =	vadd.s32 $0x1E0000, v1  }
0x2c: {  	v6 =	vadd.s32 $0x60000, v1;
	v4 =	vadd.s32 $0x80000, v1;
	v3 =	vadd.s32 $0xA0000, v1;
	[tilespmem:s16+$0x2000] =	vst v5  }
0x2d: {  	s17 =	sshra.s32 s18, $0x2;
	s18 =	sadd.s32 $0x40, s18;
	v8 =	vadd.s32 $0xC0000, v1;
	v5 =	vadd.s32 $0xE0000, v1;
	[tilespmem:s16+$0x400] =	vst v2;
	v2 =	vadd.s32 $0x100000, v1  }
0x2e: {  	v9 =	vld [tilespmem:s17+$0x0];
	[tilespmem:s16+$0x600] =	vst v7  }
0x2f: {  	[tilespmem:s16+$0x800] =	vst v6  }
0x30: {  	[tilespmem:s16+$0xA00] =	vst v4  }
0x31: {  	[tilespmem:s16+$0xC00] =	vst v3  }
0x32: {  	[tilespmem:s16+$0xE00] =	vst v8  }
0x33: {  	v3 =	vadd.s32 $0x120000, v1;
	[tilespmem:s16+$0x1000] =	vst v5;
	v4 =	vshra.s32 v9, $0x1F;
	v6 =	vand.u32 $0x1FFFF, v9  }
0x34: {  	[tilespmem:s16+$0x1200] =	vst v2;
	vm0 =	vlt.s32 v9, $0x1;
	v4 =	vshrl.u32 v4, $0xF;
	vm1 =	vne.s32 v6, $0x0  }
0x35: {  	v2 =	vadd.s32 $0x140000, v1;
	[tilespmem:s16+$0x1400] =	vst v3;
	v4 =	vadd.s32 v4, v9;
	vm0 =	vmand vm0, vm1  }
0x36: {  	v3 =	vadd.s32 $0x160000, v1;
	[tilespmem:s16+$0x1600] =	vst v2;
	v4 =	vshra.s32 v4, $0x11;
	v5 =	vsel vm0, $0xFFFFFFFF, v0  }
0x37: {  	v2 =	vadd.s32 $0x180000, v1;
	[tilespmem:s16+$0x1800] =	vst v3;
	v4 =	vadd.s32 v5, v4  }
0x38: {  	v3 =	vadd.s32 $0x1A0000, v1;
	[tilespmem:s16+$0x1A00] =	vst v2;
	v5 =	vshll.u32 v4, $0x11  }
0x39: {  	v1 =	vadd.s32 $0x1C0000, v1;
	[tilespmem:s16+$0x1C00] =	vst v3;
	v2 =	vshll.u32 v4, $0x15;
	v4 =	vsub.s32 v9, v5  }
0x3a: {  	[tilespmem:s16+$0x1E00] =	vst v1;
	v2 =	vadd.s32 v2, v4  }
0x3b: {  	[tilespmem:s17+$0x200] =	vst v2;
	v1 =	vadd.s32 $0x1E0000, v2  }
0x3c: {  	v3 =	vadd.s32 $0x20000, v2;
	[tilespmem:s17+$0x2000] =	vst v1  }
0x3d: {  	v1 =	vadd.s32 $0x40000, v2;
	[tilespmem:s17+$0x400] =	vst v3  }
0x3e: {  	v3 =	vadd.s32 $0x60000, v2;
	[tilespmem:s17+$0x600] =	vst v1  }
0x3f: {  	v1 =	vadd.s32 $0x80000, v2;
	[tilespmem:s17+$0x800] =	vst v3  }
0x40: {  	v3 =	vadd.s32 $0xA0000, v2;
	[tilespmem:s17+$0xA00] =	vst v1  }
0x41: {  	v1 =	vadd.s32 $0xC0000, v2;
	[tilespmem:s17+$0xC00] =	vst v3  }
0x42: {  	v3 =	vadd.s32 $0xE0000, v2;
	[tilespmem:s17+$0xE00] =	vst v1  }
0x43: {  	v1 =	vadd.s32 $0x100000, v2;
	[tilespmem:s17+$0x1000] =	vst v3  }
0x44: {  	v3 =	vadd.s32 $0x120000, v2;
	[tilespmem:s17+$0x1200] =	vst v1  }
0x45: {  	v1 =	vadd.s32 $0x140000, v2;
	[tilespmem:s17+$0x1400] =	vst v3  }
0x46: {  	v3 =	vadd.s32 $0x160000, v2;
	[tilespmem:s17+$0x1600] =	vst v1  }
0x47: {  	v1 =	vadd.s32 $0x180000, v2;
	[tilespmem:s17+$0x1800] =	vst v3  }
0x48: {  	v3 =	vadd.s32 $0x1A0000, v2;
	[tilespmem:s17+$0x1A00] =	vst v1  }
0x49: {  	v1 =	vadd.s32 $0x1C0000, v2;
	[tilespmem:s17+$0x1C00] =	vst v3  }
0x4a: {  	[tilespmem:s17+$0x1E00] =	vst v1  }
0x4b: {  	[tilespmem:s11], [sflag:$0x1] =	stream.indirect.gather [hbm4b:s3+s9], $0x1, s10, s9, $0xb8;
	[tilespmem:$0x6400] =	vst v63  }
0x4c: {  	s31 =	simm.s32 $0x0  }
0x4d: {  	[tilespmem:s12], [sflag:$0x2] =	stream.linear.gather [hbm4b:s5+s31], $0x2000, $0x38;
	[tilespmem:$0x6400] =	vst v63  }
0x4e: {  	_ =	swait.ge [sflag:s8], $0x2000  }
0x4f: {  	[sflag:s8] =	ssyncset.done $0x0  }
0x50: {  	[sflag:s8] =	ssyncadd.s32 $0xFFFFE000  }
0x51: {  	_ =	swait.ge [sflag:s13], $0x2000  }
0x52: {  	[sflag:s13] =	ssyncset.done $0x0  }
0x53: {  	s16 =	simm.s32 $0x0;
	[sflag:s13] =	ssyncadd.s32 $0xFFFFE000  }
0x54: {  	v1 =	vld [tilespmem:s16+$0x2200]  }
0x55: {  	v2 =	vld [tilespmem:s16+$0x4200]  }
0x56: {  	v3 =	vld [tilespmem:s16+$0x2400]  }
0x57: {  	v4 =	vld [tilespmem:s16+$0x4400]  }
0x58: {  	v5 =	vld [tilespmem:s16+$0x2600]  }
0x59: {  	v6 =	vld [tilespmem:s16+$0x4600]  }
0x5a: {  	v7 =	vld [tilespmem:s16+$0x4800];
	v1 =	vmul.f32 v2, v1  }
0x5b: {  	v2 =	vld [tilespmem:s16+$0x2800]  }
0x5c: {  	v8 =	vld [tilespmem:s16+$0x4A00];
	v3 =	vmul.f32 v4, v3;
	v1 =	vadd.f32 $0.0e+00, v1  }
0x5d: {  	v4 =	vld [tilespmem:s16+$0x2A00]  }
0x5e: {  	v1 =	vadd.f32 v3, v1;
	v3 =	vmul.f32 v6, v5;
	v5 =	vld [tilespmem:s16+$0x2C00]  }
0x5f: {  	v6 =	vld [tilespmem:s16+$0x4C00]  }
0x60: {  	v2 =	vmul.f32 v7, v2;
	v7 =	vld [tilespmem:s16+$0x4E00];
	v1 =	vadd.f32 v3, v1  }
0x61: {  	v3 =	vld [tilespmem:s16+$0x2E00]  }
0x62: {  	v1 =	vadd.f32 v2, v1;
	v2 =	vmul.f32 v8, v4;
	v4 =	vld [tilespmem:s16+$0x3000]  }
0x63: {  	v8 =	vld [tilespmem:s16+$0x5000]  }
0x64: {  	v1 =	vadd.f32 v2, v1;
	v2 =	vmul.f32 v6, v5;
	v5 =	vld [tilespmem:s16+$0x3200]  }
0x65: {  	v6 =	vld [tilespmem:s16+$0x5200]  }
0x66: {  	v1 =	vadd.f32 v2, v1;
	v2 =	vmul.f32 v7, v3;
	v3 =	vld [tilespmem:s16+$0x3400]  }
0x67: {  	v7 =	vld [tilespmem:s16+$0x5400]  }
0x68: {  	v1 =	vadd.f32 v2, v1;
	v2 =	vmul.f32 v8, v4;
	v4 =	vld [tilespmem:s16+$0x3600]  }
0x69: {  	v8 =	vld [tilespmem:s16+$0x5600]  }
0x6a: {  	v1 =	vadd.f32 v2, v1;
	v2 =	vmul.f32 v6, v5;
	v5 =	vld [tilespmem:s16+$0x3800]  }
0x6b: {  	v6 =	vld [tilespmem:s16+$0x5800]  }
0x6c: {  	v1 =	vadd.f32 v2, v1;
	v2 =	vmul.f32 v7, v3;
	v3 =	vld [tilespmem:s16+$0x3A00]  }
0x6d: {  	v7 =	vld [tilespmem:s16+$0x5A00]  }
0x6e: {  	v63 =	vld [tilespmem:s16+$0x5C00];
	v1 =	vadd.f32 v2, v1;
	v2 =	vmul.f32 v8, v4  }
0x6f: {  	v8 =	vld [tilespmem:s16+$0x3C00]  }
0x70: {  	v4 =	vld [tilespmem:s16+$0x5E00];
	v5 =	vmul.f32 v6, v5;
	v2 =	vadd.f32 v2, v1  }
0x71: {  	v1 =	vld [tilespmem:s16+$0x3E00]  }
0x72: {  	v7 =	vmul.f32 v7, v3;
	v6 =	vadd.f32 v5, v2;
	v2 =	vld [tilespmem:s16+$0x4000]  }
0x73: {  	s17 =	simm.s32 $0x10;
	v5 =	vld [tilespmem:s16+$0x6000]  }
0x74: {  	s18 =	simm.s32 $0x80;
	v3 =	vld [tilespmem:s17+$0x2200];
	v6 =	vadd.f32 v7, v6;
	v7 =	vmul.f32 v63, v8  }
.LBB2_4:
0x75: {  	p0 =	sne.s32 s18, $0x7C0;
	v8 =	vld [tilespmem:s17+$0x4200]  }
0x76: {  	v9 =	vld [tilespmem:s17+$0x2400];
	v6 =	vadd.f32 v7, v6;
	v1 =	vmul.f32 v4, v1  }
0x77: {  	v4 =	vld [tilespmem:s17+$0x4400]  }
0x78: {  	v7 =	vld [tilespmem:s17+$0x2600];
	v1 =	vadd.f32 v1, v6;
	v2 =	vmul.f32 v5, v2  }
0x79: {  	v5 =	vld [tilespmem:s17+$0x4600]  }
0x7a: {  	v3 =	vmul.f32 v8, v3;
	v6 =	vld [tilespmem:s17+$0x2800];
	v1 =	vadd.f32 v2, v1  }
0x7b: {  	v2 =	vld [tilespmem:s17+$0x4800]  }
0x7c: {  	v3 =	vadd.f32 $0.0e+00, v3;
	v4 =	vmul.f32 v4, v9;
	v8 =	vld [tilespmem:s17+$0x2A00];
	[tilespmem:s16+$0x6200] =	vst v1;
	s16 =	smov.u32 s17  }
0x7d: {  	v1 =	vld [tilespmem:s16+$0x4A00]  }
0x7e: {  	v3 =	vadd.f32 v4, v3;
	v4 =	vmul.f32 v5, v7;
	v5 =	vld [tilespmem:s16+$0x2C00]  }
0x7f: {  	v7 =	vld [tilespmem:s16+$0x4C00]  }
0x80: {  	v3 =	vadd.f32 v4, v3;
	v2 =	vmul.f32 v2, v6;
	v4 =	vld [tilespmem:s16+$0x2E00]  }
0x81: {  	v6 =	vld [tilespmem:s16+$0x4E00]  }
0x82: {  	v2 =	vadd.f32 v2, v3;
	v1 =	vmul.f32 v1, v8;
	v3 =	vld [tilespmem:s16+$0x3000]  }
0x83: {  	v8 =	vld [tilespmem:s16+$0x5000]  }
0x84: {  	v1 =	vadd.f32 v1, v2;
	v2 =	vmul.f32 v7, v5;
	v5 =	vld [tilespmem:s16+$0x3200]  }
0x85: {  	v7 =	vld [tilespmem:s16+$0x5200]  }
0x86: {  	v1 =	vadd.f32 v2, v1;
	v2 =	vmul.f32 v6, v4;
	v4 =	vld [tilespmem:s16+$0x3400]  }
0x87: {  	v6 =	vld [tilespmem:s16+$0x5400]  }
0x88: {  	v1 =	vadd.f32 v2, v1;
	v2 =	vmul.f32 v8, v3;
	v3 =	vld [tilespmem:s16+$0x3600]  }
0x89: {  	v8 =	vld [tilespmem:s16+$0x5600]  }
0x8a: {  	v1 =	vadd.f32 v2, v1;
	v2 =	vmul.f32 v7, v5;
	v5 =	vld [tilespmem:s16+$0x3800]  }
0x8b: {  	v7 =	vld [tilespmem:s16+$0x5800]  }
0x8c: {  	v1 =	vadd.f32 v2, v1;
	v2 =	vmul.f32 v6, v4;
	v6 =	vld [tilespmem:s16+$0x3A00]  }
0x8d: {  	v9 =	vld [tilespmem:s16+$0x5A00]  }
0x8e: {  	v1 =	vadd.f32 v2, v1;
	v2 =	vmul.f32 v8, v3;
	v8 =	vld [tilespmem:s16+$0x3C00]  }
0x8f: {  	v10 =	vld [tilespmem:s16+$0x5C00]  }
.Ltmp1:
0x90: {  	v2 =	vadd.f32 v2, v1;
	v3 =	vmul.f32 v7, v5;
	v1 =	vld [tilespmem:s16+$0x3E00];
	(pc) =	sbr.rel @p0 .LBB2_4-.Ltmp1, $4  }
0x91: {  	v4 =	vld [tilespmem:s16+$0x5E00]  }
0x92: {  	v7 =	vadd.f32 v3, v2;
	v6 =	vmul.f32 v9, v6;
	v2 =	vld [tilespmem:s16+$0x4000]  }
0x93: {  	s17 =	sshra.s32 s18, $0x2;
	v5 =	vld [tilespmem:s16+$0x6000]  }
0x94: {  	s18 =	sadd.s32 $0x40, s18;
	v3 =	vld [tilespmem:s17+$0x2200];
	v6 =	vadd.f32 v6, v7;
	v7 =	vmul.f32 v10, v8  }
0x95: {  	v8 =	vld [tilespmem:s17+$0x4200]  }
0x96: {  	v9 =	vld [tilespmem:s17+$0x2400];
	v6 =	vadd.f32 v7, v6;
	v1 =	vmul.f32 v4, v1  }
0x97: {  	v39 =	vld [tilespmem:s17+$0x4400]  }
0x98: {  	v40 =	vld [tilespmem:s17+$0x2600];
	v1 =	vadd.f32 v1, v6;
	v2 =	vmul.f32 v5, v2  }
0x99: {  	v41 =	vld [tilespmem:s17+$0x4600]  }
0x9a: {  	v42 =	vld [tilespmem:s17+$0x2800];
	v3 =	vmul.f32 v8, v3;
	v1 =	vadd.f32 v2, v1  }
0x9b: {  	v2 =	vld [tilespmem:s17+$0x4800]  }
0x9c: {  	v43 =	vld [tilespmem:s17+$0x2A00];
	v4 =	vmul.f32 v39, v9;
	v3 =	vadd.f32 $0.0e+00, v3;
	[tilespmem:s16+$0x6200] =	vst v1  }
0x9d: {  	v1 =	vld [tilespmem:s17+$0x4A00]  }
0x9e: {  	v44 =	vmul.f32 v41, v40;
	v45 =	vld [tilespmem:s17+$0x2C00];
	v3 =	vadd.f32 v4, v3  }
0x9f: {  	v46 =	vld [tilespmem:s17+$0x4C00]  }
0xa0: {  	v47 =	vld [tilespmem:s17+$0x2E00];
	v2 =	vmul.f32 v2, v42;
	v3 =	vadd.f32 v44, v3  }
0xa1: {  	v48 =	vld [tilespmem:s17+$0x4E00]  }
0xa2: {  	v49 =	vld [tilespmem:s17+$0x5000];
	v2 =	vadd.f32 v2, v3;
	v1 =	vmul.f32 v1, v43  }
0xa3: {  	v3 =	vld [tilespmem:s17+$0x3000]  }
0xa4: {  	v50 =	vld [tilespmem:s17+$0x3200];
	v1 =	vadd.f32 v1, v2;
	v2 =	vmul.f32 v46, v45  }
0xa5: {  	v51 =	vld [tilespmem:s17+$0x5200]  }
0xa6: {  	v52 =	vld [tilespmem:s17+$0x3400];
	v1 =	vadd.f32 v2, v1;
	v2 =	vmul.f32 v48, v47  }
0xa7: {  	v53 =	vld [tilespmem:s17+$0x5400]  }
0xa8: {  	v54 =	vld [tilespmem:s17+$0x5600];
	v1 =	vadd.f32 v2, v1;
	v2 =	vmul.f32 v49, v3  }
0xa9: {  	v3 =	vld [tilespmem:s17+$0x3600]  }
0xaa: {  	v55 =	vld [tilespmem:s17+$0x3800];
	v1 =	vadd.f32 v2, v1;
	v2 =	vmul.f32 v51, v50  }
0xab: {  	v56 =	vld [tilespmem:s17+$0x5800]  }
0xac: {  	v57 =	vld [tilespmem:s17+$0x3A00];
	v1 =	vadd.f32 v2, v1;
	v2 =	vmul.f32 v53, v52  }
0xad: {  	v58 =	vld [tilespmem:s17+$0x5A00]  }
0xae: {  	v59 =	vld [tilespmem:s17+$0x5C00];
	v1 =	vadd.f32 v2, v1;
	v2 =	vmul.f32 v54, v3  }
0xaf: {  	v3 =	vld [tilespmem:s17+$0x3C00]  }
0xb0: {  	v60 =	vld [tilespmem:s17+$0x3E00];
	v1 =	vadd.f32 v2, v1;
	v2 =	vmul.f32 v56, v55  }
0xb1: {  	v61 =	vld [tilespmem:s17+$0x5E00]  }
0xb2: {  	v62 =	vld [tilespmem:s17+$0x4000];
	v1 =	vadd.f32 v2, v1;
	v2 =	vmul.f32 v58, v57  }
0xb3: {  	v63 =	vld [tilespmem:s17+$0x6000]  }
0xb4: {  	v1 =	vadd.f32 v2, v1;
	v2 =	vmul.f32 v59, v3;
	_ =	sdelay $0x1  }
0xb5: {  	v1 =	vadd.f32 v2, v1;
	v2 =	vmul.f32 v61, v60;
	_ =	sdelay $0x1  }
0xb6: {  	v1 =	vadd.f32 v2, v1;
	v2 =	vmul.f32 v63, v62;
	_ =	sdelay $0x1  }
0xb7: {  	s15 =	sadd.s32 $0x1, s15;
	v1 =	vadd.f32 v2, v1  }
0xb8: {  	p0 =	sne.s32 s15, s7  }
.Ltmp2:
0xb9: {  	[tilespmem:s17+$0x6200] =	vst v1;
	(pc) =	sbr.rel @p0 .LBB2_1-.Ltmp2, $4  }
0xba: {  	[hbm4b:s6+s2] =	stream.linear.scatter [tilespmem:s14], [sflag:$0x2], $0x200, $0x38;
	[tilespmem:$0x6400] =	vst v63  }
0xbb: {  	_ =	swait.ge [sflag:s8], $0x200  }
0xbc: {  	[sflag:s8] =	ssyncset.done $0x0  }
0xbd: {  	[sflag:s8] =	ssyncadd.s32 $0xFFFFFE00  }
0xbe: {  	_ =	sfence.sel $0x180000  }
0xbf: {  	[bflag:$0x0] =	sbarrier.arrive $0xFFFF  }
0xc0: {  	p0 =	sne.s32 s1, $0x0;
	_ =	strace $0x9000004A  }
0xc1: {  	s0 =	sadd.s32 @!p0 $0x100000, s0;
	[bflag:$0x2] =	sbarrier.arrive $0xFFFF  }
0xc2: {  	[sflag:s0] =	ssyncadd.tile.s32 @!p0 $0x1;
	_ =	shalt  }
.Lfunc_end2:
_tile_overlayer_lowered:
.L_overlay_start_2:
0xc3: {  	(tag) =	ssettag $0x2  }
0xc4: {  	s0 =	rddreg [dreg:$0x0];
	s2 =	stileid.u32  }
0xc5: {  	s1 =	rddreg [dreg:$0x1];
	p0 =	sne.s32 s2, $0x0  }
0xc6: {  	s3 =	rddreg [dreg:$0x2];
	[bflag:$0x3] =	sbarrier.arrive $0xFFFF;
	s2 =	simm.s32 @!p0 $0x1C02  }
0xc7: {  	[timem:s3], [sflag:s2] =	dma.local @!p0 [hbm:s0], s1  }
0xc8: {  	s0 =	simm.s32 @!p0 $0x2  }
0xc9: {  	_ =	swait.ge @!p0 [sflag:s0], s1  }
0xca: {  	s1 =	ssub.s32 @!p0 $0x0, s1;
	[sflag:s0] =	ssyncset.done @!p0 $0x0  }
0xcb: {  	[sflag:s0] =	ssyncadd.s32 @!p0 s1  }
0xcc: {  	[bflag:$0x3] =	sbarrier.arrive $0xFFFF  }
0xcd: {  	_ =	shalt  }

</sc_bundles>
